<compile_context>
chip_gen: v7x
topology: tpu7x:2x2x1
jax: 0.10.2.dev20260603
libtpu: 0.0.44.dev20260713+nightly
codegen_flags: <defaults>
</compile_context>

<pallas_src>
import functools

import jax
import jax.numpy as jnp
from jax import lax
from jax.experimental import pallas as pl
from jax.experimental.pallas import tpu as pltpu
from jax.experimental.pallas import tpu_sc as plsc

_CHUNK = 128


@functools.cache
def _build_gather(B: int, V: int, D: int):
    info = plsc.get_sparse_core_info()
    NC, NS = info.num_cores, info.num_subcores
    NW = NC * NS
    assert B % (NW * _CHUNK) == 0
    b_per_w = B // NW
    mesh = plsc.VectorSubcoreMesh(core_axis_name="c", subcore_axis_name="s")

    @functools.partial(
        pl.kernel,
        mesh=mesh,
        out_type=jax.ShapeDtypeStruct((D, B), jnp.float32),
        compiler_params=pltpu.CompilerParams(
            use_tc_tiling_on_sc=False, needs_layout_passes=False
        ),
        scratch_types=[
            pltpu.VMEM((b_per_w,), jnp.int32),
            pltpu.VMEM((D, b_per_w), jnp.float32),
            pltpu.SemaphoreType.DMA,
        ],
    )
    def gather_k(ids_hbm, dataT_hbm, outT_hbm, idx_v, colv, sem):
        wid = lax.axis_index("s") * NC + lax.axis_index("c")
        base = wid * b_per_w

        pltpu.sync_copy(ids_hbm.at[pl.ds(base, b_per_w)], idx_v)
        copies = []
        for c in range(D):
            col = dataT_hbm.at[c]
            for j in range(b_per_w // _CHUNK):
                copies.append(pltpu.async_copy(
                    col.at[idx_v.at[pl.ds(j * _CHUNK, _CHUNK)]],
                    colv.at[c, pl.ds(j * _CHUNK, _CHUNK)],
                    sem,
                ))
        for cp in copies:
            cp.wait()
        for c in range(D):
            pltpu.sync_copy(
                colv.at[c], outT_hbm.at[c, pl.ds(base, b_per_w)]
            )

    return gather_k


def kernel(ids, data):
    B, = ids.shape
    V, D = data.shape
    gather_k = _build_gather(B, V, D)
    return gather_k(ids.astype(jnp.int32), data.T).T

# --- scband reference (transcript-rebuilt; emitter-appended) ---
"""Pipeline reference for scband-per-frame-alignment-61529701482529 (READ-ONLY COPY).

The authoritative reference and input builder live on the scoring server;
editing this copy changes nothing except your own understanding.
"""

import jax, jax.numpy as jnp
import numpy as np

NUM_FRAMES = 100000
BATCH = 16384

def setup_inputs(seed: int = 0) -> dict:
    key = jax.random.key(seed)
    k_ids, _ = jax.random.split(key)
    ids = jax.random.randint(k_ids, (BATCH,), 0, NUM_FRAMES, dtype=jnp.int64 if jax.config.jax_enable_x64 else jnp.int32)
    # learned parameter: concat(ones[N,2], zeros[N,2], axis=-1)
    data = jnp.concatenate([
        jnp.ones((NUM_FRAMES, 2), dtype=jnp.float32),
        jnp.zeros((NUM_FRAMES, 2), dtype=jnp.float32),
    ], axis=-1)
    return {"ids": ids, "data": data}

def reference(ids, data):
    # PerFrameAlignment.forward: self.data[ids]
    return jnp.take(data, ids, axis=0)

if __name__ == "__main__":
    import jax
    _d = setup_inputs()
    print(jax.jit(kernel)(*tuple(_d.values())))

</pallas_src>

<mosaic_0001>
#map = affine_map<(d0, d1) -> (0)>
#map1 = affine_map<(d0, d1) -> (0, 0)>
module attributes {stable_mosaic.version = 14 : i64} {
  func.func @gather_k(%arg0: i32, %arg1: i32, %arg2: memref<16384xi32, #tpu.memory_space<hbm>>, %arg3: memref<4x100000xf32, #tpu.memory_space<hbm>>, %arg4: memref<4x16384xf32, #tpu.memory_space<hbm>>, %arg5: memref<512xi32, #tpu.memory_space<vmem>>, %arg6: memref<4x512xf32, #tpu.memory_space<vmem>>, %arg7: memref<!tpu.dma_semaphore, #tpu.memory_space<semaphore_mem>>) attributes {dimension_semantics = [#tpu.dimension_semantics<core_parallel>, #tpu.dimension_semantics<subcore_parallel>], iteration_bounds = array<i64: 2, 16>, scalar_prefetch = 0 : i64, scratch_operands = 3 : i64, tpu.core_type = #tpu.core_type<sc_vector_subcore>, window_params = [{transform_indices = #map}, {transform_indices = #map1}, {transform_indices = #map1}]} {
    %mul3A = arith.constant 2 : i32
    %mul3A_0 = arith.muli %arg1, %mul3A : i32
    %add3A = arith.addi %mul3A_0, %arg0 : i32
    %mul3A_1 = arith.constant 512 : i32
    %mul3A_2 = arith.muli %add3A, %mul3A_1 : i32
    "tpu.region"() ({
      %run_scoped3A_392 = tpu.sem_alloc : memref<!tpu.dma_semaphore, #tpu.memory_space<semaphore_mem>>
      %dma_start3A_393 = tpu.memref_slice %arg2[%mul3A_2] : memref<16384xi32, #tpu.memory_space<hbm>> -> memref<512xi32, #tpu.memory_space<hbm>>
      %dma_start3A_394 = tpu.memref_slice %arg2[%mul3A_2] : memref<16384xi32, #tpu.memory_space<hbm>> -> memref<512xi32, #tpu.memory_space<hbm>>
      tpu.enqueue_dma source(%dma_start3A_394 : memref<512xi32, #tpu.memory_space<hbm>>) target(%arg5 : memref<512xi32, #tpu.memory_space<vmem>>) target_semaphore(%run_scoped3A_392 : memref<!tpu.dma_semaphore, #tpu.memory_space<semaphore_mem>>)
      %dma_wait3A_395 = tpu.memref_slice %arg2[%mul3A_2] : memref<16384xi32, #tpu.memory_space<hbm>> -> memref<512xi32, #tpu.memory_space<hbm>>
      %dma_wait3A_396 = tpu.memref_slice %arg2[%mul3A_2] : memref<16384xi32, #tpu.memory_space<hbm>> -> memref<512xi32, #tpu.memory_space<hbm>>
      tpu.wait_dma2 semaphore(%run_scoped3A_392 : memref<!tpu.dma_semaphore, #tpu.memory_space<semaphore_mem>>) src(%dma_wait3A_396 : memref<512xi32, #tpu.memory_space<hbm>>) dst(%arg5 : memref<512xi32, #tpu.memory_space<vmem>>)
      tpu.yield
    }) : () -> ()
    %dma_start3A = arith.constant 0 : i32
    %dma_start3A_3 = arith.constant 0 : i32
    %dma_start3A_4 = arith.constant 0 : i32
    %dma_start3A_5 = tpu.memref_slice %arg6[%dma_start3A_3, %dma_start3A_4] : memref<4x512xf32, #tpu.memory_space<vmem>> -> memref<1x128xf32, #tpu.memory_space<vmem>>
    %dma_start3A_6 = tpu.memref_squeeze %dma_start3A_5 : memref<1x128xf32, #tpu.memory_space<vmem>> -> memref<128xf32, #tpu.memory_space<vmem>>
    %dma_start3A_7 = arith.constant 0 : i32
    %dma_start3A_8 = tpu.memref_slice %arg5[%dma_start3A_7] : memref<512xi32, #tpu.memory_space<vmem>> -> memref<128xi32, #tpu.memory_space<vmem>>
    %dma_start3A_9 = arith.constant 0 : i32
    %dma_start3A_10 = tpu.memref_slice %arg3[%dma_start3A, %dma_start3A_9] : memref<4x100000xf32, #tpu.memory_space<hbm>> -> memref<1x100000xf32, #tpu.memory_space<hbm>>
    %dma_start3A_11 = tpu.memref_squeeze %dma_start3A_10 : memref<1x100000xf32, #tpu.memory_space<hbm>> -> memref<100000xf32, #tpu.memory_space<hbm>>
    %dma_start3A_12 = arith.constant 0 : i32
    %dma_start3A_13 = tpu.memref_slice %dma_start3A_11[%dma_start3A_12] : memref<100000xf32, #tpu.memory_space<hbm>> -> memref<100000xf32, #tpu.memory_space<hbm>>
    tpu.enqueue_indirect_dma source(%dma_start3A_13 : memref<100000xf32, #tpu.memory_space<hbm>>) target(%dma_start3A_6 : memref<128xf32, #tpu.memory_space<vmem>>) offsets(%dma_start3A_8 : memref<128xi32, #tpu.memory_space<vmem>>) semaphore(%arg7 : memref<!tpu.dma_semaphore, #tpu.memory_space<semaphore_mem>>)
    %dma_start3A_14 = arith.constant 0 : i32
    %dma_start3A_15 = arith.constant 0 : i32
    %dma_start3A_16 = arith.constant 128 : i32
    %dma_start3A_17 = tpu.memref_slice %arg6[%dma_start3A_15, %dma_start3A_16] : memref<4x512xf32, #tpu.memory_space<vmem>> -> memref<1x128xf32, #tpu.memory_space<vmem>>
    %dma_start3A_18 = tpu.memref_squeeze %dma_start3A_17 : memref<1x128xf32, #tpu.memory_space<vmem>> -> memref<128xf32, #tpu.memory_space<vmem>>
    %dma_start3A_19 = arith.constant 128 : i32
    %dma_start3A_20 = tpu.memref_slice %arg5[%dma_start3A_19] : memref<512xi32, #tpu.memory_space<vmem>> -> memref<128xi32, #tpu.memory_space<vmem>>
    %dma_start3A_21 = arith.constant 0 : i32
    %dma_start3A_22 = tpu.memref_slice %arg3[%dma_start3A_14, %dma_start3A_21] : memref<4x100000xf32, #tpu.memory_space<hbm>> -> memref<1x100000xf32, #tpu.memory_space<hbm>>
    %dma_start3A_23 = tpu.memref_squeeze %dma_start3A_22 : memref<1x100000xf32, #tpu.memory_space<hbm>> -> memref<100000xf32, #tpu.memory_space<hbm>>
    %dma_start3A_24 = arith.constant 0 : i32
    %dma_start3A_25 = tpu.memref_slice %dma_start3A_23[%dma_start3A_24] : memref<100000xf32, #tpu.memory_space<hbm>> -> memref<100000xf32, #tpu.memory_space<hbm>>
    tpu.enqueue_indirect_dma source(%dma_start3A_25 : memref<100000xf32, #tpu.memory_space<hbm>>) target(%dma_start3A_18 : memref<128xf32, #tpu.memory_space<vmem>>) offsets(%dma_start3A_20 : memref<128xi32, #tpu.memory_space<vmem>>) semaphore(%arg7 : memref<!tpu.dma_semaphore, #tpu.memory_space<semaphore_mem>>)
    %dma_start3A_26 = arith.constant 0 : i32
    %dma_start3A_27 = arith.constant 0 : i32
    %dma_start3A_28 = arith.constant 256 : i32
    %dma_start3A_29 = tpu.memref_slice %arg6[%dma_start3A_27, %dma_start3A_28] : memref<4x512xf32, #tpu.memory_space<vmem>> -> memref<1x128xf32, #tpu.memory_space<vmem>>
    %dma_start3A_30 = tpu.memref_squeeze %dma_start3A_29 : memref<1x128xf32, #tpu.memory_space<vmem>> -> memref<128xf32, #tpu.memory_space<vmem>>
    %dma_start3A_31 = arith.constant 256 : i32
    %dma_start3A_32 = tpu.memref_slice %arg5[%dma_start3A_31] : memref<512xi32, #tpu.memory_space<vmem>> -> memref<128xi32, #tpu.memory_space<vmem>>
    %dma_start3A_33 = arith.constant 0 : i32
    %dma_start3A_34 = tpu.memref_slice %arg3[%dma_start3A_26, %dma_start3A_33] : memref<4x100000xf32, #tpu.memory_space<hbm>> -> memref<1x100000xf32, #tpu.memory_space<hbm>>
    %dma_start3A_35 = tpu.memref_squeeze %dma_start3A_34 : memref<1x100000xf32, #tpu.memory_space<hbm>> -> memref<100000xf32, #tpu.memory_space<hbm>>
    %dma_start3A_36 = arith.constant 0 : i32
    %dma_start3A_37 = tpu.memref_slice %dma_start3A_35[%dma_start3A_36] : memref<100000xf32, #tpu.memory_space<hbm>> -> memref<100000xf32, #tpu.memory_space<hbm>>
    tpu.enqueue_indirect_dma source(%dma_start3A_37 : memref<100000xf32, #tpu.memory_space<hbm>>) target(%dma_start3A_30 : memref<128xf32, #tpu.memory_space<vmem>>) offsets(%dma_start3A_32 : memref<128xi32, #tpu.memory_space<vmem>>) semaphore(%arg7 : memref<!tpu.dma_semaphore, #tpu.memory_space<semaphore_mem>>)
    %dma_start3A_38 = arith.constant 0 : i32
    %dma_start3A_39 = arith.constant 0 : i32
    %dma_start3A_40 = arith.constant 384 : i32
    %dma_start3A_41 = tpu.memref_slice %arg6[%dma_start3A_39, %dma_start3A_40] : memref<4x512xf32, #tpu.memory_space<vmem>> -> memref<1x128xf32, #tpu.memory_space<vmem>>
    %dma_start3A_42 = tpu.memref_squeeze %dma_start3A_41 : memref<1x128xf32, #tpu.memory_space<vmem>> -> memref<128xf32, #tpu.memory_space<vmem>>
    %dma_start3A_43 = arith.constant 384 : i32
    %dma_start3A_44 = tpu.memref_slice %arg5[%dma_start3A_43] : memref<512xi32, #tpu.memory_space<vmem>> -> memref<128xi32, #tpu.memory_space<vmem>>
    %dma_start3A_45 = arith.constant 0 : i32
    %dma_start3A_46 = tpu.memref_slice %arg3[%dma_start3A_38, %dma_start3A_45] : memref<4x100000xf32, #tpu.memory_space<hbm>> -> memref<1x100000xf32, #tpu.memory_space<hbm>>
    %dma_start3A_47 = tpu.memref_squeeze %dma_start3A_46 : memref<1x100000xf32, #tpu.memory_space<hbm>> -> memref<100000xf32, #tpu.memory_space<hbm>>
    %dma_start3A_48 = arith.constant 0 : i32
    %dma_start3A_49 = tpu.memref_slice %dma_start3A_47[%dma_start3A_48] : memref<100000xf32, #tpu.memory_space<hbm>> -> memref<100000xf32, #tpu.memory_space<hbm>>
    tpu.enqueue_indirect_dma source(%dma_start3A_49 : memref<100000xf32, #tpu.memory_space<hbm>>) target(%dma_start3A_42 : memref<128xf32, #tpu.memory_space<vmem>>) offsets(%dma_start3A_44 : memref<128xi32, #tpu.memory_space<vmem>>) semaphore(%arg7 : memref<!tpu.dma_semaphore, #tpu.memory_space<semaphore_mem>>)
    %dma_start3A_50 = arith.constant 1 : i32
    %dma_start3A_51 = arith.constant 1 : i32
    %dma_start3A_52 = arith.constant 0 : i32
    %dma_start3A_53 = tpu.memref_slice %arg6[%dma_start3A_51, %dma_start3A_52] : memref<4x512xf32, #tpu.memory_space<vmem>> -> memref<1x128xf32, #tpu.memory_space<vmem>>
    %dma_start3A_54 = tpu.memref_squeeze %dma_start3A_53 : memref<1x128xf32, #tpu.memory_space<vmem>> -> memref<128xf32, #tpu.memory_space<vmem>>
    %dma_start3A_55 = arith.constant 0 : i32
    %dma_start3A_56 = tpu.memref_slice %arg5[%dma_start3A_55] : memref<512xi32, #tpu.memory_space<vmem>> -> memref<128xi32, #tpu.memory_space<vmem>>
    %dma_start3A_57 = arith.constant 0 : i32
    %dma_start3A_58 = tpu.memref_slice %arg3[%dma_start3A_50, %dma_start3A_57] : memref<4x100000xf32, #tpu.memory_space<hbm>> -> memref<1x100000xf32, #tpu.memory_space<hbm>>
    %dma_start3A_59 = tpu.memref_squeeze %dma_start3A_58 : memref<1x100000xf32, #tpu.memory_space<hbm>> -> memref<100000xf32, #tpu.memory_space<hbm>>
    %dma_start3A_60 = arith.constant 0 : i32
    %dma_start3A_61 = tpu.memref_slice %dma_start3A_59[%dma_start3A_60] : memref<100000xf32, #tpu.memory_space<hbm>> -> memref<100000xf32, #tpu.memory_space<hbm>>
    tpu.enqueue_indirect_dma source(%dma_start3A_61 : memref<100000xf32, #tpu.memory_space<hbm>>) target(%dma_start3A_54 : memref<128xf32, #tpu.memory_space<vmem>>) offsets(%dma_start3A_56 : memref<128xi32, #tpu.memory_space<vmem>>) semaphore(%arg7 : memref<!tpu.dma_semaphore, #tpu.memory_space<semaphore_mem>>)
    %dma_start3A_62 = arith.constant 1 : i32
    %dma_start3A_63 = arith.constant 1 : i32
    %dma_start3A_64 = arith.constant 128 : i32
    %dma_start3A_65 = tpu.memref_slice %arg6[%dma_start3A_63, %dma_start3A_64] : memref<4x512xf32, #tpu.memory_space<vmem>> -> memref<1x128xf32, #tpu.memory_space<vmem>>
    %dma_start3A_66 = tpu.memref_squeeze %dma_start3A_65 : memref<1x128xf32, #tpu.memory_space<vmem>> -> memref<128xf32, #tpu.memory_space<vmem>>
    %dma_start3A_67 = arith.constant 128 : i32
    %dma_start3A_68 = tpu.memref_slice %arg5[%dma_start3A_67] : memref<512xi32, #tpu.memory_space<vmem>> -> memref<128xi32, #tpu.memory_space<vmem>>
    %dma_start3A_69 = arith.constant 0 : i32
    %dma_start3A_70 = tpu.memref_slice %arg3[%dma_start3A_62, %dma_start3A_69] : memref<4x100000xf32, #tpu.memory_space<hbm>> -> memref<1x100000xf32, #tpu.memory_space<hbm>>
    %dma_start3A_71 = tpu.memref_squeeze %dma_start3A_70 : memref<1x100000xf32, #tpu.memory_space<hbm>> -> memref<100000xf32, #tpu.memory_space<hbm>>
    %dma_start3A_72 = arith.constant 0 : i32
    %dma_start3A_73 = tpu.memref_slice %dma_start3A_71[%dma_start3A_72] : memref<100000xf32, #tpu.memory_space<hbm>> -> memref<100000xf32, #tpu.memory_space<hbm>>
    tpu.enqueue_indirect_dma source(%dma_start3A_73 : memref<100000xf32, #tpu.memory_space<hbm>>) target(%dma_start3A_66 : memref<128xf32, #tpu.memory_space<vmem>>) offsets(%dma_start3A_68 : memref<128xi32, #tpu.memory_space<vmem>>) semaphore(%arg7 : memref<!tpu.dma_semaphore, #tpu.memory_space<semaphore_mem>>)
    %dma_start3A_74 = arith.constant 1 : i32
    %dma_start3A_75 = arith.constant 1 : i32
    %dma_start3A_76 = arith.constant 256 : i32
    %dma_start3A_77 = tpu.memref_slice %arg6[%dma_start3A_75, %dma_start3A_76] : memref<4x512xf32, #tpu.memory_space<vmem>> -> memref<1x128xf32, #tpu.memory_space<vmem>>
    %dma_start3A_78 = tpu.memref_squeeze %dma_start3A_77 : memref<1x128xf32, #tpu.memory_space<vmem>> -> memref<128xf32, #tpu.memory_space<vmem>>
    %dma_start3A_79 = arith.constant 256 : i32
    %dma_start3A_80 = tpu.memref_slice %arg5[%dma_start3A_79] : memref<512xi32, #tpu.memory_space<vmem>> -> memref<128xi32, #tpu.memory_space<vmem>>
    %dma_start3A_81 = arith.constant 0 : i32
    %dma_start3A_82 = tpu.memref_slice %arg3[%dma_start3A_74, %dma_start3A_81] : memref<4x100000xf32, #tpu.memory_space<hbm>> -> memref<1x100000xf32, #tpu.memory_space<hbm>>
    %dma_start3A_83 = tpu.memref_squeeze %dma_start3A_82 : memref<1x100000xf32, #tpu.memory_space<hbm>> -> memref<100000xf32, #tpu.memory_space<hbm>>
    %dma_start3A_84 = arith.constant 0 : i32
    %dma_start3A_85 = tpu.memref_slice %dma_start3A_83[%dma_start3A_84] : memref<100000xf32, #tpu.memory_space<hbm>> -> memref<100000xf32, #tpu.memory_space<hbm>>
    tpu.enqueue_indirect_dma source(%dma_start3A_85 : memref<100000xf32, #tpu.memory_space<hbm>>) target(%dma_start3A_78 : memref<128xf32, #tpu.memory_space<vmem>>) offsets(%dma_start3A_80 : memref<128xi32, #tpu.memory_space<vmem>>) semaphore(%arg7 : memref<!tpu.dma_semaphore, #tpu.memory_space<semaphore_mem>>)
    %dma_start3A_86 = arith.constant 1 : i32
    %dma_start3A_87 = arith.constant 1 : i32
    %dma_start3A_88 = arith.constant 384 : i32
    %dma_start3A_89 = tpu.memref_slice %arg6[%dma_start3A_87, %dma_start3A_88] : memref<4x512xf32, #tpu.memory_space<vmem>> -> memref<1x128xf32, #tpu.memory_space<vmem>>
    %dma_start3A_90 = tpu.memref_squeeze %dma_start3A_89 : memref<1x128xf32, #tpu.memory_space<vmem>> -> memref<128xf32, #tpu.memory_space<vmem>>
    %dma_start3A_91 = arith.constant 384 : i32
    %dma_start3A_92 = tpu.memref_slice %arg5[%dma_start3A_91] : memref<512xi32, #tpu.memory_space<vmem>> -> memref<128xi32, #tpu.memory_space<vmem>>
    %dma_start3A_93 = arith.constant 0 : i32
    %dma_start3A_94 = tpu.memref_slice %arg3[%dma_start3A_86, %dma_start3A_93] : memref<4x100000xf32, #tpu.memory_space<hbm>> -> memref<1x100000xf32, #tpu.memory_space<hbm>>
    %dma_start3A_95 = tpu.memref_squeeze %dma_start3A_94 : memref<1x100000xf32, #tpu.memory_space<hbm>> -> memref<100000xf32, #tpu.memory_space<hbm>>
    %dma_start3A_96 = arith.constant 0 : i32
    %dma_start3A_97 = tpu.memref_slice %dma_start3A_95[%dma_start3A_96] : memref<100000xf32, #tpu.memory_space<hbm>> -> memref<100000xf32, #tpu.memory_space<hbm>>
    tpu.enqueue_indirect_dma source(%dma_start3A_97 : memref<100000xf32, #tpu.memory_space<hbm>>) target(%dma_start3A_90 : memref<128xf32, #tpu.memory_space<vmem>>) offsets(%dma_start3A_92 : memref<128xi32, #tpu.memory_space<vmem>>) semaphore(%arg7 : memref<!tpu.dma_semaphore, #tpu.memory_space<semaphore_mem>>)
    %dma_start3A_98 = arith.constant 2 : i32
    %dma_start3A_99 = arith.constant 2 : i32
    %dma_start3A_100 = arith.constant 0 : i32
    %dma_start3A_101 = tpu.memref_slice %arg6[%dma_start3A_99, %dma_start3A_100] : memref<4x512xf32, #tpu.memory_space<vmem>> -> memref<1x128xf32, #tpu.memory_space<vmem>>
    %dma_start3A_102 = tpu.memref_squeeze %dma_start3A_101 : memref<1x128xf32, #tpu.memory_space<vmem>> -> memref<128xf32, #tpu.memory_space<vmem>>
    %dma_start3A_103 = arith.constant 0 : i32
    %dma_start3A_104 = tpu.memref_slice %arg5[%dma_start3A_103] : memref<512xi32, #tpu.memory_space<vmem>> -> memref<128xi32, #tpu.memory_space<vmem>>
    %dma_start3A_105 = arith.constant 0 : i32
    %dma_start3A_106 = tpu.memref_slice %arg3[%dma_start3A_98, %dma_start3A_105] : memref<4x100000xf32, #tpu.memory_space<hbm>> -> memref<1x100000xf32, #tpu.memory_space<hbm>>
    %dma_start3A_107 = tpu.memref_squeeze %dma_start3A_106 : memref<1x100000xf32, #tpu.memory_space<hbm>> -> memref<100000xf32, #tpu.memory_space<hbm>>
    %dma_start3A_108 = arith.constant 0 : i32
    %dma_start3A_109 = tpu.memref_slice %dma_start3A_107[%dma_start3A_108] : memref<100000xf32, #tpu.memory_space<hbm>> -> memref<100000xf32, #tpu.memory_space<hbm>>
    tpu.enqueue_indirect_dma source(%dma_start3A_109 : memref<100000xf32, #tpu.memory_space<hbm>>) target(%dma_start3A_102 : memref<128xf32, #tpu.memory_space<vmem>>) offsets(%dma_start3A_104 : memref<128xi32, #tpu.memory_space<vmem>>) semaphore(%arg7 : memref<!tpu.dma_semaphore, #tpu.memory_space<semaphore_mem>>)
    %dma_start3A_110 = arith.constant 2 : i32
    %dma_start3A_111 = arith.constant 2 : i32
    %dma_start3A_112 = arith.constant 128 : i32
    %dma_start3A_113 = tpu.memref_slice %arg6[%dma_start3A_111, %dma_start3A_112] : memref<4x512xf32, #tpu.memory_space<vmem>> -> memref<1x128xf32, #tpu.memory_space<vmem>>
    %dma_start3A_114 = tpu.memref_squeeze %dma_start3A_113 : memref<1x128xf32, #tpu.memory_space<vmem>> -> memref<128xf32, #tpu.memory_space<vmem>>
    %dma_start3A_115 = arith.constant 128 : i32
    %dma_start3A_116 = tpu.memref_slice %arg5[%dma_start3A_115] : memref<512xi32, #tpu.memory_space<vmem>> -> memref<128xi32, #tpu.memory_space<vmem>>
    %dma_start3A_117 = arith.constant 0 : i32
    %dma_start3A_118 = tpu.memref_slice %arg3[%dma_start3A_110, %dma_start3A_117] : memref<4x100000xf32, #tpu.memory_space<hbm>> -> memref<1x100000xf32, #tpu.memory_space<hbm>>
    %dma_start3A_119 = tpu.memref_squeeze %dma_start3A_118 : memref<1x100000xf32, #tpu.memory_space<hbm>> -> memref<100000xf32, #tpu.memory_space<hbm>>
    %dma_start3A_120 = arith.constant 0 : i32
    %dma_start3A_121 = tpu.memref_slice %dma_start3A_119[%dma_start3A_120] : memref<100000xf32, #tpu.memory_space<hbm>> -> memref<100000xf32, #tpu.memory_space<hbm>>
    tpu.enqueue_indirect_dma source(%dma_start3A_121 : memref<100000xf32, #tpu.memory_space<hbm>>) target(%dma_start3A_114 : memref<128xf32, #tpu.memory_space<vmem>>) offsets(%dma_start3A_116 : memref<128xi32, #tpu.memory_space<vmem>>) semaphore(%arg7 : memref<!tpu.dma_semaphore, #tpu.memory_space<semaphore_mem>>)
    %dma_start3A_122 = arith.constant 2 : i32
    %dma_start3A_123 = arith.constant 2 : i32
    %dma_start3A_124 = arith.constant 256 : i32
    %dma_start3A_125 = tpu.memref_slice %arg6[%dma_start3A_123, %dma_start3A_124] : memref<4x512xf32, #tpu.memory_space<vmem>> -> memref<1x128xf32, #tpu.memory_space<vmem>>
    %dma_start3A_126 = tpu.memref_squeeze %dma_start3A_125 : memref<1x128xf32, #tpu.memory_space<vmem>> -> memref<128xf32, #tpu.memory_space<vmem>>
    %dma_start3A_127 = arith.constant 256 : i32
    %dma_start3A_128 = tpu.memref_slice %arg5[%dma_start3A_127] : memref<512xi32, #tpu.memory_space<vmem>> -> memref<128xi32, #tpu.memory_space<vmem>>
    %dma_start3A_129 = arith.constant 0 : i32
    %dma_start3A_130 = tpu.memref_slice %arg3[%dma_start3A_122, %dma_start3A_129] : memref<4x100000xf32, #tpu.memory_space<hbm>> -> memref<1x100000xf32, #tpu.memory_space<hbm>>
    %dma_start3A_131 = tpu.memref_squeeze %dma_start3A_130 : memref<1x100000xf32, #tpu.memory_space<hbm>> -> memref<100000xf32, #tpu.memory_space<hbm>>
    %dma_start3A_132 = arith.constant 0 : i32
    %dma_start3A_133 = tpu.memref_slice %dma_start3A_131[%dma_start3A_132] : memref<100000xf32, #tpu.memory_space<hbm>> -> memref<100000xf32, #tpu.memory_space<hbm>>
    tpu.enqueue_indirect_dma source(%dma_start3A_133 : memref<100000xf32, #tpu.memory_space<hbm>>) target(%dma_start3A_126 : memref<128xf32, #tpu.memory_space<vmem>>) offsets(%dma_start3A_128 : memref<128xi32, #tpu.memory_space<vmem>>) semaphore(%arg7 : memref<!tpu.dma_semaphore, #tpu.memory_space<semaphore_mem>>)
    %dma_start3A_134 = arith.constant 2 : i32
    %dma_start3A_135 = arith.constant 2 : i32
    %dma_start3A_136 = arith.constant 384 : i32
    %dma_start3A_137 = tpu.memref_slice %arg6[%dma_start3A_135, %dma_start3A_136] : memref<4x512xf32, #tpu.memory_space<vmem>> -> memref<1x128xf32, #tpu.memory_space<vmem>>
    %dma_start3A_138 = tpu.memref_squeeze %dma_start3A_137 : memref<1x128xf32, #tpu.memory_space<vmem>> -> memref<128xf32, #tpu.memory_space<vmem>>
    %dma_start3A_139 = arith.constant 384 : i32
    %dma_start3A_140 = tpu.memref_slice %arg5[%dma_start3A_139] : memref<512xi32, #tpu.memory_space<vmem>> -> memref<128xi32, #tpu.memory_space<vmem>>
    %dma_start3A_141 = arith.constant 0 : i32
    %dma_start3A_142 = tpu.memref_slice %arg3[%dma_start3A_134, %dma_start3A_141] : memref<4x100000xf32, #tpu.memory_space<hbm>> -> memref<1x100000xf32, #tpu.memory_space<hbm>>
    %dma_start3A_143 = tpu.memref_squeeze %dma_start3A_142 : memref<1x100000xf32, #tpu.memory_space<hbm>> -> memref<100000xf32, #tpu.memory_space<hbm>>
    %dma_start3A_144 = arith.constant 0 : i32
    %dma_start3A_145 = tpu.memref_slice %dma_start3A_143[%dma_start3A_144] : memref<100000xf32, #tpu.memory_space<hbm>> -> memref<100000xf32, #tpu.memory_space<hbm>>
    tpu.enqueue_indirect_dma source(%dma_start3A_145 : memref<100000xf32, #tpu.memory_space<hbm>>) target(%dma_start3A_138 : memref<128xf32, #tpu.memory_space<vmem>>) offsets(%dma_start3A_140 : memref<128xi32, #tpu.memory_space<vmem>>) semaphore(%arg7 : memref<!tpu.dma_semaphore, #tpu.memory_space<semaphore_mem>>)
    %dma_start3A_146 = arith.constant 3 : i32
    %dma_start3A_147 = arith.constant 3 : i32
    %dma_start3A_148 = arith.constant 0 : i32
    %dma_start3A_149 = tpu.memref_slice %arg6[%dma_start3A_147, %dma_start3A_148] : memref<4x512xf32, #tpu.memory_space<vmem>> -> memref<1x128xf32, #tpu.memory_space<vmem>>
    %dma_start3A_150 = tpu.memref_squeeze %dma_start3A_149 : memref<1x128xf32, #tpu.memory_space<vmem>> -> memref<128xf32, #tpu.memory_space<vmem>>
    %dma_start3A_151 = arith.constant 0 : i32
    %dma_start3A_152 = tpu.memref_slice %arg5[%dma_start3A_151] : memref<512xi32, #tpu.memory_space<vmem>> -> memref<128xi32, #tpu.memory_space<vmem>>
    %dma_start3A_153 = arith.constant 0 : i32
    %dma_start3A_154 = tpu.memref_slice %arg3[%dma_start3A_146, %dma_start3A_153] : memref<4x100000xf32, #tpu.memory_space<hbm>> -> memref<1x100000xf32, #tpu.memory_space<hbm>>
    %dma_start3A_155 = tpu.memref_squeeze %dma_start3A_154 : memref<1x100000xf32, #tpu.memory_space<hbm>> -> memref<100000xf32, #tpu.memory_space<hbm>>
    %dma_start3A_156 = arith.constant 0 : i32
    %dma_start3A_157 = tpu.memref_slice %dma_start3A_155[%dma_start3A_156] : memref<100000xf32, #tpu.memory_space<hbm>> -> memref<100000xf32, #tpu.memory_space<hbm>>
    tpu.enqueue_indirect_dma source(%dma_start3A_157 : memref<100000xf32, #tpu.memory_space<hbm>>) target(%dma_start3A_150 : memref<128xf32, #tpu.memory_space<vmem>>) offsets(%dma_start3A_152 : memref<128xi32, #tpu.memory_space<vmem>>) semaphore(%arg7 : memref<!tpu.dma_semaphore, #tpu.memory_space<semaphore_mem>>)
    %dma_start3A_158 = arith.constant 3 : i32
    %dma_start3A_159 = arith.constant 3 : i32
    %dma_start3A_160 = arith.constant 128 : i32
    %dma_start3A_161 = tpu.memref_slice %arg6[%dma_start3A_159, %dma_start3A_160] : memref<4x512xf32, #tpu.memory_space<vmem>> -> memref<1x128xf32, #tpu.memory_space<vmem>>
    %dma_start3A_162 = tpu.memref_squeeze %dma_start3A_161 : memref<1x128xf32, #tpu.memory_space<vmem>> -> memref<128xf32, #tpu.memory_space<vmem>>
    %dma_start3A_163 = arith.constant 128 : i32
    %dma_start3A_164 = tpu.memref_slice %arg5[%dma_start3A_163] : memref<512xi32, #tpu.memory_space<vmem>> -> memref<128xi32, #tpu.memory_space<vmem>>
    %dma_start3A_165 = arith.constant 0 : i32
    %dma_start3A_166 = tpu.memref_slice %arg3[%dma_start3A_158, %dma_start3A_165] : memref<4x100000xf32, #tpu.memory_space<hbm>> -> memref<1x100000xf32, #tpu.memory_space<hbm>>
    %dma_start3A_167 = tpu.memref_squeeze %dma_start3A_166 : memref<1x100000xf32, #tpu.memory_space<hbm>> -> memref<100000xf32, #tpu.memory_space<hbm>>
    %dma_start3A_168 = arith.constant 0 : i32
    %dma_start3A_169 = tpu.memref_slice %dma_start3A_167[%dma_start3A_168] : memref<100000xf32, #tpu.memory_space<hbm>> -> memref<100000xf32, #tpu.memory_space<hbm>>
    tpu.enqueue_indirect_dma source(%dma_start3A_169 : memref<100000xf32, #tpu.memory_space<hbm>>) target(%dma_start3A_162 : memref<128xf32, #tpu.memory_space<vmem>>) offsets(%dma_start3A_164 : memref<128xi32, #tpu.memory_space<vmem>>) semaphore(%arg7 : memref<!tpu.dma_semaphore, #tpu.memory_space<semaphore_mem>>)
    %dma_start3A_170 = arith.constant 3 : i32
    %dma_start3A_171 = arith.constant 3 : i32
    %dma_start3A_172 = arith.constant 256 : i32
    %dma_start3A_173 = tpu.memref_slice %arg6[%dma_start3A_171, %dma_start3A_172] : memref<4x512xf32, #tpu.memory_space<vmem>> -> memref<1x128xf32, #tpu.memory_space<vmem>>
    %dma_start3A_174 = tpu.memref_squeeze %dma_start3A_173 : memref<1x128xf32, #tpu.memory_space<vmem>> -> memref<128xf32, #tpu.memory_space<vmem>>
    %dma_start3A_175 = arith.constant 256 : i32
    %dma_start3A_176 = tpu.memref_slice %arg5[%dma_start3A_175] : memref<512xi32, #tpu.memory_space<vmem>> -> memref<128xi32, #tpu.memory_space<vmem>>
    %dma_start3A_177 = arith.constant 0 : i32
    %dma_start3A_178 = tpu.memref_slice %arg3[%dma_start3A_170, %dma_start3A_177] : memref<4x100000xf32, #tpu.memory_space<hbm>> -> memref<1x100000xf32, #tpu.memory_space<hbm>>
    %dma_start3A_179 = tpu.memref_squeeze %dma_start3A_178 : memref<1x100000xf32, #tpu.memory_space<hbm>> -> memref<100000xf32, #tpu.memory_space<hbm>>
    %dma_start3A_180 = arith.constant 0 : i32
    %dma_start3A_181 = tpu.memref_slice %dma_start3A_179[%dma_start3A_180] : memref<100000xf32, #tpu.memory_space<hbm>> -> memref<100000xf32, #tpu.memory_space<hbm>>
    tpu.enqueue_indirect_dma source(%dma_start3A_181 : memref<100000xf32, #tpu.memory_space<hbm>>) target(%dma_start3A_174 : memref<128xf32, #tpu.memory_space<vmem>>) offsets(%dma_start3A_176 : memref<128xi32, #tpu.memory_space<vmem>>) semaphore(%arg7 : memref<!tpu.dma_semaphore, #tpu.memory_space<semaphore_mem>>)
    %dma_start3A_182 = arith.constant 3 : i32
    %dma_start3A_183 = arith.constant 3 : i32
    %dma_start3A_184 = arith.constant 384 : i32
    %dma_start3A_185 = tpu.memref_slice %arg6[%dma_start3A_183, %dma_start3A_184] : memref<4x512xf32, #tpu.memory_space<vmem>> -> memref<1x128xf32, #tpu.memory_space<vmem>>
    %dma_start3A_186 = tpu.memref_squeeze %dma_start3A_185 : memref<1x128xf32, #tpu.memory_space<vmem>> -> memref<128xf32, #tpu.memory_space<vmem>>
    %dma_start3A_187 = arith.constant 384 : i32
    %dma_start3A_188 = tpu.memref_slice %arg5[%dma_start3A_187] : memref<512xi32, #tpu.memory_space<vmem>> -> memref<128xi32, #tpu.memory_space<vmem>>
    %dma_start3A_189 = arith.constant 0 : i32
    %dma_start3A_190 = tpu.memref_slice %arg3[%dma_start3A_182, %dma_start3A_189] : memref<4x100000xf32, #tpu.memory_space<hbm>> -> memref<1x100000xf32, #tpu.memory_space<hbm>>
    %dma_start3A_191 = tpu.memref_squeeze %dma_start3A_190 : memref<1x100000xf32, #tpu.memory_space<hbm>> -> memref<100000xf32, #tpu.memory_space<hbm>>
    %dma_start3A_192 = arith.constant 0 : i32
    %dma_start3A_193 = tpu.memref_slice %dma_start3A_191[%dma_start3A_192] : memref<100000xf32, #tpu.memory_space<hbm>> -> memref<100000xf32, #tpu.memory_space<hbm>>
    tpu.enqueue_indirect_dma source(%dma_start3A_193 : memref<100000xf32, #tpu.memory_space<hbm>>) target(%dma_start3A_186 : memref<128xf32, #tpu.memory_space<vmem>>) offsets(%dma_start3A_188 : memref<128xi32, #tpu.memory_space<vmem>>) semaphore(%arg7 : memref<!tpu.dma_semaphore, #tpu.memory_space<semaphore_mem>>)
    %dma_wait3A = arith.constant 0 : i32
    %dma_wait3A_194 = arith.constant 0 : i32
    %dma_wait3A_195 = arith.constant 0 : i32
    %dma_wait3A_196 = tpu.memref_slice %arg6[%dma_wait3A_194, %dma_wait3A_195] : memref<4x512xf32, #tpu.memory_space<vmem>> -> memref<1x128xf32, #tpu.memory_space<vmem>>
    %dma_wait3A_197 = tpu.memref_squeeze %dma_wait3A_196 : memref<1x128xf32, #tpu.memory_space<vmem>> -> memref<128xf32, #tpu.memory_space<vmem>>
    %dma_wait3A_198 = arith.constant 0 : i32
    %dma_wait3A_199 = tpu.memref_slice %arg5[%dma_wait3A_198] : memref<512xi32, #tpu.memory_space<vmem>> -> memref<128xi32, #tpu.memory_space<vmem>>
    %dma_wait3A_200 = arith.constant 0 : i32
    %dma_wait3A_201 = tpu.memref_slice %arg3[%dma_wait3A, %dma_wait3A_200] : memref<4x100000xf32, #tpu.memory_space<hbm>> -> memref<1x100000xf32, #tpu.memory_space<hbm>>
    %dma_wait3A_202 = tpu.memref_squeeze %dma_wait3A_201 : memref<1x100000xf32, #tpu.memory_space<hbm>> -> memref<100000xf32, #tpu.memory_space<hbm>>
    %dma_wait3A_203 = arith.constant 0 : i32
    %dma_wait3A_204 = tpu.memref_slice %dma_wait3A_202[%dma_wait3A_203] : memref<100000xf32, #tpu.memory_space<hbm>> -> memref<100000xf32, #tpu.memory_space<hbm>>
    tpu.wait_indirect_dma semaphore(%arg7 : memref<!tpu.dma_semaphore, #tpu.memory_space<semaphore_mem>>) src(%dma_wait3A_204 : memref<100000xf32, #tpu.memory_space<hbm>>) dst(%dma_wait3A_197 : memref<128xf32, #tpu.memory_space<vmem>>)
    %dma_wait3A_205 = arith.constant 0 : i32
    %dma_wait3A_206 = arith.constant 0 : i32
    %dma_wait3A_207 = arith.constant 128 : i32
    %dma_wait3A_208 = tpu.memref_slice %arg6[%dma_wait3A_206, %dma_wait3A_207] : memref<4x512xf32, #tpu.memory_space<vmem>> -> memref<1x128xf32, #tpu.memory_space<vmem>>
    %dma_wait3A_209 = tpu.memref_squeeze %dma_wait3A_208 : memref<1x128xf32, #tpu.memory_space<vmem>> -> memref<128xf32, #tpu.memory_space<vmem>>
    %dma_wait3A_210 = arith.constant 128 : i32
    %dma_wait3A_211 = tpu.memref_slice %arg5[%dma_wait3A_210] : memref<512xi32, #tpu.memory_space<vmem>> -> memref<128xi32, #tpu.memory_space<vmem>>
    %dma_wait3A_212 = arith.constant 0 : i32
    %dma_wait3A_213 = tpu.memref_slice %arg3[%dma_wait3A_205, %dma_wait3A_212] : memref<4x100000xf32, #tpu.memory_space<hbm>> -> memref<1x100000xf32, #tpu.memory_space<hbm>>
    %dma_wait3A_214 = tpu.memref_squeeze %dma_wait3A_213 : memref<1x100000xf32, #tpu.memory_space<hbm>> -> memref<100000xf32, #tpu.memory_space<hbm>>
    %dma_wait3A_215 = arith.constant 0 : i32
    %dma_wait3A_216 = tpu.memref_slice %dma_wait3A_214[%dma_wait3A_215] : memref<100000xf32, #tpu.memory_space<hbm>> -> memref<100000xf32, #tpu.memory_space<hbm>>
    tpu.wait_indirect_dma semaphore(%arg7 : memref<!tpu.dma_semaphore, #tpu.memory_space<semaphore_mem>>) src(%dma_wait3A_216 : memref<100000xf32, #tpu.memory_space<hbm>>) dst(%dma_wait3A_209 : memref<128xf32, #tpu.memory_space<vmem>>)
    %dma_wait3A_217 = arith.constant 0 : i32
    %dma_wait3A_218 = arith.constant 0 : i32
    %dma_wait3A_219 = arith.constant 256 : i32
    %dma_wait3A_220 = tpu.memref_slice %arg6[%dma_wait3A_218, %dma_wait3A_219] : memref<4x512xf32, #tpu.memory_space<vmem>> -> memref<1x128xf32, #tpu.memory_space<vmem>>
    %dma_wait3A_221 = tpu.memref_squeeze %dma_wait3A_220 : memref<1x128xf32, #tpu.memory_space<vmem>> -> memref<128xf32, #tpu.memory_space<vmem>>
    %dma_wait3A_222 = arith.constant 256 : i32
    %dma_wait3A_223 = tpu.memref_slice %arg5[%dma_wait3A_222] : memref<512xi32, #tpu.memory_space<vmem>> -> memref<128xi32, #tpu.memory_space<vmem>>
    %dma_wait3A_224 = arith.constant 0 : i32
    %dma_wait3A_225 = tpu.memref_slice %arg3[%dma_wait3A_217, %dma_wait3A_224] : memref<4x100000xf32, #tpu.memory_space<hbm>> -> memref<1x100000xf32, #tpu.memory_space<hbm>>
    %dma_wait3A_226 = tpu.memref_squeeze %dma_wait3A_225 : memref<1x100000xf32, #tpu.memory_space<hbm>> -> memref<100000xf32, #tpu.memory_space<hbm>>
    %dma_wait3A_227 = arith.constant 0 : i32
    %dma_wait3A_228 = tpu.memref_slice %dma_wait3A_226[%dma_wait3A_227] : memref<100000xf32, #tpu.memory_space<hbm>> -> memref<100000xf32, #tpu.memory_space<hbm>>
    tpu.wait_indirect_dma semaphore(%arg7 : memref<!tpu.dma_semaphore, #tpu.memory_space<semaphore_mem>>) src(%dma_wait3A_228 : memref<100000xf32, #tpu.memory_space<hbm>>) dst(%dma_wait3A_221 : memref<128xf32, #tpu.memory_space<vmem>>)
    %dma_wait3A_229 = arith.constant 0 : i32
    %dma_wait3A_230 = arith.constant 0 : i32
    %dma_wait3A_231 = arith.constant 384 : i32
    %dma_wait3A_232 = tpu.memref_slice %arg6[%dma_wait3A_230, %dma_wait3A_231] : memref<4x512xf32, #tpu.memory_space<vmem>> -> memref<1x128xf32, #tpu.memory_space<vmem>>
    %dma_wait3A_233 = tpu.memref_squeeze %dma_wait3A_232 : memref<1x128xf32, #tpu.memory_space<vmem>> -> memref<128xf32, #tpu.memory_space<vmem>>
    %dma_wait3A_234 = arith.constant 384 : i32
    %dma_wait3A_235 = tpu.memref_slice %arg5[%dma_wait3A_234] : memref<512xi32, #tpu.memory_space<vmem>> -> memref<128xi32, #tpu.memory_space<vmem>>
    %dma_wait3A_236 = arith.constant 0 : i32
    %dma_wait3A_237 = tpu.memref_slice %arg3[%dma_wait3A_229, %dma_wait3A_236] : memref<4x100000xf32, #tpu.memory_space<hbm>> -> memref<1x100000xf32, #tpu.memory_space<hbm>>
    %dma_wait3A_238 = tpu.memref_squeeze %dma_wait3A_237 : memref<1x100000xf32, #tpu.memory_space<hbm>> -> memref<100000xf32, #tpu.memory_space<hbm>>
    %dma_wait3A_239 = arith.constant 0 : i32
    %dma_wait3A_240 = tpu.memref_slice %dma_wait3A_238[%dma_wait3A_239] : memref<100000xf32, #tpu.memory_space<hbm>> -> memref<100000xf32, #tpu.memory_space<hbm>>
    tpu.wait_indirect_dma semaphore(%arg7 : memref<!tpu.dma_semaphore, #tpu.memory_space<semaphore_mem>>) src(%dma_wait3A_240 : memref<100000xf32, #tpu.memory_space<hbm>>) dst(%dma_wait3A_233 : memref<128xf32, #tpu.memory_space<vmem>>)
    %dma_wait3A_241 = arith.constant 1 : i32
    %dma_wait3A_242 = arith.constant 1 : i32
    %dma_wait3A_243 = arith.constant 0 : i32
    %dma_wait3A_244 = tpu.memref_slice %arg6[%dma_wait3A_242, %dma_wait3A_243] : memref<4x512xf32, #tpu.memory_space<vmem>> -> memref<1x128xf32, #tpu.memory_space<vmem>>
    %dma_wait3A_245 = tpu.memref_squeeze %dma_wait3A_244 : memref<1x128xf32, #tpu.memory_space<vmem>> -> memref<128xf32, #tpu.memory_space<vmem>>
    %dma_wait3A_246 = arith.constant 0 : i32
    %dma_wait3A_247 = tpu.memref_slice %arg5[%dma_wait3A_246] : memref<512xi32, #tpu.memory_space<vmem>> -> memref<128xi32, #tpu.memory_space<vmem>>
    %dma_wait3A_248 = arith.constant 0 : i32
    %dma_wait3A_249 = tpu.memref_slice %arg3[%dma_wait3A_241, %dma_wait3A_248] : memref<4x100000xf32, #tpu.memory_space<hbm>> -> memref<1x100000xf32, #tpu.memory_space<hbm>>
    %dma_wait3A_250 = tpu.memref_squeeze %dma_wait3A_249 : memref<1x100000xf32, #tpu.memory_space<hbm>> -> memref<100000xf32, #tpu.memory_space<hbm>>
    %dma_wait3A_251 = arith.constant 0 : i32
    %dma_wait3A_252 = tpu.memref_slice %dma_wait3A_250[%dma_wait3A_251] : memref<100000xf32, #tpu.memory_space<hbm>> -> memref<100000xf32, #tpu.memory_space<hbm>>
    tpu.wait_indirect_dma semaphore(%arg7 : memref<!tpu.dma_semaphore, #tpu.memory_space<semaphore_mem>>) src(%dma_wait3A_252 : memref<100000xf32, #tpu.memory_space<hbm>>) dst(%dma_wait3A_245 : memref<128xf32, #tpu.memory_space<vmem>>)
    %dma_wait3A_253 = arith.constant 1 : i32
    %dma_wait3A_254 = arith.constant 1 : i32
    %dma_wait3A_255 = arith.constant 128 : i32
    %dma_wait3A_256 = tpu.memref_slice %arg6[%dma_wait3A_254, %dma_wait3A_255] : memref<4x512xf32, #tpu.memory_space<vmem>> -> memref<1x128xf32, #tpu.memory_space<vmem>>
    %dma_wait3A_257 = tpu.memref_squeeze %dma_wait3A_256 : memref<1x128xf32, #tpu.memory_space<vmem>> -> memref<128xf32, #tpu.memory_space<vmem>>
    %dma_wait3A_258 = arith.constant 128 : i32
    %dma_wait3A_259 = tpu.memref_slice %arg5[%dma_wait3A_258] : memref<512xi32, #tpu.memory_space<vmem>> -> memref<128xi32, #tpu.memory_space<vmem>>
    %dma_wait3A_260 = arith.constant 0 : i32
    %dma_wait3A_261 = tpu.memref_slice %arg3[%dma_wait3A_253, %dma_wait3A_260] : memref<4x100000xf32, #tpu.memory_space<hbm>> -> memref<1x100000xf32, #tpu.memory_space<hbm>>
    %dma_wait3A_262 = tpu.memref_squeeze %dma_wait3A_261 : memref<1x100000xf32, #tpu.memory_space<hbm>> -> memref<100000xf32, #tpu.memory_space<hbm>>
    %dma_wait3A_263 = arith.constant 0 : i32
    %dma_wait3A_264 = tpu.memref_slice %dma_wait3A_262[%dma_wait3A_263] : memref<100000xf32, #tpu.memory_space<hbm>> -> memref<100000xf32, #tpu.memory_space<hbm>>
    tpu.wait_indirect_dma semaphore(%arg7 : memref<!tpu.dma_semaphore, #tpu.memory_space<semaphore_mem>>) src(%dma_wait3A_264 : memref<100000xf32, #tpu.memory_space<hbm>>) dst(%dma_wait3A_257 : memref<128xf32, #tpu.memory_space<vmem>>)
    %dma_wait3A_265 = arith.constant 1 : i32
    %dma_wait3A_266 = arith.constant 1 : i32
    %dma_wait3A_267 = arith.constant 256 : i32
    %dma_wait3A_268 = tpu.memref_slice %arg6[%dma_wait3A_266, %dma_wait3A_267] : memref<4x512xf32, #tpu.memory_space<vmem>> -> memref<1x128xf32, #tpu.memory_space<vmem>>
    %dma_wait3A_269 = tpu.memref_squeeze %dma_wait3A_268 : memref<1x128xf32, #tpu.memory_space<vmem>> -> memref<128xf32, #tpu.memory_space<vmem>>
    %dma_wait3A_270 = arith.constant 256 : i32
    %dma_wait3A_271 = tpu.memref_slice %arg5[%dma_wait3A_270] : memref<512xi32, #tpu.memory_space<vmem>> -> memref<128xi32, #tpu.memory_space<vmem>>
    %dma_wait3A_272 = arith.constant 0 : i32
    %dma_wait3A_273 = tpu.memref_slice %arg3[%dma_wait3A_265, %dma_wait3A_272] : memref<4x100000xf32, #tpu.memory_space<hbm>> -> memref<1x100000xf32, #tpu.memory_space<hbm>>
    %dma_wait3A_274 = tpu.memref_squeeze %dma_wait3A_273 : memref<1x100000xf32, #tpu.memory_space<hbm>> -> memref<100000xf32, #tpu.memory_space<hbm>>
    %dma_wait3A_275 = arith.constant 0 : i32
    %dma_wait3A_276 = tpu.memref_slice %dma_wait3A_274[%dma_wait3A_275] : memref<100000xf32, #tpu.memory_space<hbm>> -> memref<100000xf32, #tpu.memory_space<hbm>>
    tpu.wait_indirect_dma semaphore(%arg7 : memref<!tpu.dma_semaphore, #tpu.memory_space<semaphore_mem>>) src(%dma_wait3A_276 : memref<100000xf32, #tpu.memory_space<hbm>>) dst(%dma_wait3A_269 : memref<128xf32, #tpu.memory_space<vmem>>)
    %dma_wait3A_277 = arith.constant 1 : i32
    %dma_wait3A_278 = arith.constant 1 : i32
    %dma_wait3A_279 = arith.constant 384 : i32
    %dma_wait3A_280 = tpu.memref_slice %arg6[%dma_wait3A_278, %dma_wait3A_279] : memref<4x512xf32, #tpu.memory_space<vmem>> -> memref<1x128xf32, #tpu.memory_space<vmem>>
    %dma_wait3A_281 = tpu.memref_squeeze %dma_wait3A_280 : memref<1x128xf32, #tpu.memory_space<vmem>> -> memref<128xf32, #tpu.memory_space<vmem>>
    %dma_wait3A_282 = arith.constant 384 : i32
    %dma_wait3A_283 = tpu.memref_slice %arg5[%dma_wait3A_282] : memref<512xi32, #tpu.memory_space<vmem>> -> memref<128xi32, #tpu.memory_space<vmem>>
    %dma_wait3A_284 = arith.constant 0 : i32
    %dma_wait3A_285 = tpu.memref_slice %arg3[%dma_wait3A_277, %dma_wait3A_284] : memref<4x100000xf32, #tpu.memory_space<hbm>> -> memref<1x100000xf32, #tpu.memory_space<hbm>>
    %dma_wait3A_286 = tpu.memref_squeeze %dma_wait3A_285 : memref<1x100000xf32, #tpu.memory_space<hbm>> -> memref<100000xf32, #tpu.memory_space<hbm>>
    %dma_wait3A_287 = arith.constant 0 : i32
    %dma_wait3A_288 = tpu.memref_slice %dma_wait3A_286[%dma_wait3A_287] : memref<100000xf32, #tpu.memory_space<hbm>> -> memref<100000xf32, #tpu.memory_space<hbm>>
    tpu.wait_indirect_dma semaphore(%arg7 : memref<!tpu.dma_semaphore, #tpu.memory_space<semaphore_mem>>) src(%dma_wait3A_288 : memref<100000xf32, #tpu.memory_space<hbm>>) dst(%dma_wait3A_281 : memref<128xf32, #tpu.memory_space<vmem>>)
    %dma_wait3A_289 = arith.constant 2 : i32
    %dma_wait3A_290 = arith.constant 2 : i32
    %dma_wait3A_291 = arith.constant 0 : i32
    %dma_wait3A_292 = tpu.memref_slice %arg6[%dma_wait3A_290, %dma_wait3A_291] : memref<4x512xf32, #tpu.memory_space<vmem>> -> memref<1x128xf32, #tpu.memory_space<vmem>>
    %dma_wait3A_293 = tpu.memref_squeeze %dma_wait3A_292 : memref<1x128xf32, #tpu.memory_space<vmem>> -> memref<128xf32, #tpu.memory_space<vmem>>
    %dma_wait3A_294 = arith.constant 0 : i32
    %dma_wait3A_295 = tpu.memref_slice %arg5[%dma_wait3A_294] : memref<512xi32, #tpu.memory_space<vmem>> -> memref<128xi32, #tpu.memory_space<vmem>>
    %dma_wait3A_296 = arith.constant 0 : i32
    %dma_wait3A_297 = tpu.memref_slice %arg3[%dma_wait3A_289, %dma_wait3A_296] : memref<4x100000xf32, #tpu.memory_space<hbm>> -> memref<1x100000xf32, #tpu.memory_space<hbm>>
    %dma_wait3A_298 = tpu.memref_squeeze %dma_wait3A_297 : memref<1x100000xf32, #tpu.memory_space<hbm>> -> memref<100000xf32, #tpu.memory_space<hbm>>
    %dma_wait3A_299 = arith.constant 0 : i32
    %dma_wait3A_300 = tpu.memref_slice %dma_wait3A_298[%dma_wait3A_299] : memref<100000xf32, #tpu.memory_space<hbm>> -> memref<100000xf32, #tpu.memory_space<hbm>>
    tpu.wait_indirect_dma semaphore(%arg7 : memref<!tpu.dma_semaphore, #tpu.memory_space<semaphore_mem>>) src(%dma_wait3A_300 : memref<100000xf32, #tpu.memory_space<hbm>>) dst(%dma_wait3A_293 : memref<128xf32, #tpu.memory_space<vmem>>)
    %dma_wait3A_301 = arith.constant 2 : i32
    %dma_wait3A_302 = arith.constant 2 : i32
    %dma_wait3A_303 = arith.constant 128 : i32
    %dma_wait3A_304 = tpu.memref_slice %arg6[%dma_wait3A_302, %dma_wait3A_303] : memref<4x512xf32, #tpu.memory_space<vmem>> -> memref<1x128xf32, #tpu.memory_space<vmem>>
    %dma_wait3A_305 = tpu.memref_squeeze %dma_wait3A_304 : memref<1x128xf32, #tpu.memory_space<vmem>> -> memref<128xf32, #tpu.memory_space<vmem>>
    %dma_wait3A_306 = arith.constant 128 : i32
    %dma_wait3A_307 = tpu.memref_slice %arg5[%dma_wait3A_306] : memref<512xi32, #tpu.memory_space<vmem>> -> memref<128xi32, #tpu.memory_space<vmem>>
    %dma_wait3A_308 = arith.constant 0 : i32
    %dma_wait3A_309 = tpu.memref_slice %arg3[%dma_wait3A_301, %dma_wait3A_308] : memref<4x100000xf32, #tpu.memory_space<hbm>> -> memref<1x100000xf32, #tpu.memory_space<hbm>>
    %dma_wait3A_310 = tpu.memref_squeeze %dma_wait3A_309 : memref<1x100000xf32, #tpu.memory_space<hbm>> -> memref<100000xf32, #tpu.memory_space<hbm>>
    %dma_wait3A_311 = arith.constant 0 : i32
    %dma_wait3A_312 = tpu.memref_slice %dma_wait3A_310[%dma_wait3A_311] : memref<100000xf32, #tpu.memory_space<hbm>> -> memref<100000xf32, #tpu.memory_space<hbm>>
    tpu.wait_indirect_dma semaphore(%arg7 : memref<!tpu.dma_semaphore, #tpu.memory_space<semaphore_mem>>) src(%dma_wait3A_312 : memref<100000xf32, #tpu.memory_space<hbm>>) dst(%dma_wait3A_305 : memref<128xf32, #tpu.memory_space<vmem>>)
    %dma_wait3A_313 = arith.constant 2 : i32
    %dma_wait3A_314 = arith.constant 2 : i32
    %dma_wait3A_315 = arith.constant 256 : i32
    %dma_wait3A_316 = tpu.memref_slice %arg6[%dma_wait3A_314, %dma_wait3A_315] : memref<4x512xf32, #tpu.memory_space<vmem>> -> memref<1x128xf32, #tpu.memory_space<vmem>>
    %dma_wait3A_317 = tpu.memref_squeeze %dma_wait3A_316 : memref<1x128xf32, #tpu.memory_space<vmem>> -> memref<128xf32, #tpu.memory_space<vmem>>
    %dma_wait3A_318 = arith.constant 256 : i32
    %dma_wait3A_319 = tpu.memref_slice %arg5[%dma_wait3A_318] : memref<512xi32, #tpu.memory_space<vmem>> -> memref<128xi32, #tpu.memory_space<vmem>>
    %dma_wait3A_320 = arith.constant 0 : i32
    %dma_wait3A_321 = tpu.memref_slice %arg3[%dma_wait3A_313, %dma_wait3A_320] : memref<4x100000xf32, #tpu.memory_space<hbm>> -> memref<1x100000xf32, #tpu.memory_space<hbm>>
    %dma_wait3A_322 = tpu.memref_squeeze %dma_wait3A_321 : memref<1x100000xf32, #tpu.memory_space<hbm>> -> memref<100000xf32, #tpu.memory_space<hbm>>
    %dma_wait3A_323 = arith.constant 0 : i32
    %dma_wait3A_324 = tpu.memref_slice %dma_wait3A_322[%dma_wait3A_323] : memref<100000xf32, #tpu.memory_space<hbm>> -> memref<100000xf32, #tpu.memory_space<hbm>>
    tpu.wait_indirect_dma semaphore(%arg7 : memref<!tpu.dma_semaphore, #tpu.memory_space<semaphore_mem>>) src(%dma_wait3A_324 : memref<100000xf32, #tpu.memory_space<hbm>>) dst(%dma_wait3A_317 : memref<128xf32, #tpu.memory_space<vmem>>)
    %dma_wait3A_325 = arith.constant 2 : i32
    %dma_wait3A_326 = arith.constant 2 : i32
    %dma_wait3A_327 = arith.constant 384 : i32
    %dma_wait3A_328 = tpu.memref_slice %arg6[%dma_wait3A_326, %dma_wait3A_327] : memref<4x512xf32, #tpu.memory_space<vmem>> -> memref<1x128xf32, #tpu.memory_space<vmem>>
    %dma_wait3A_329 = tpu.memref_squeeze %dma_wait3A_328 : memref<1x128xf32, #tpu.memory_space<vmem>> -> memref<128xf32, #tpu.memory_space<vmem>>
    %dma_wait3A_330 = arith.constant 384 : i32
    %dma_wait3A_331 = tpu.memref_slice %arg5[%dma_wait3A_330] : memref<512xi32, #tpu.memory_space<vmem>> -> memref<128xi32, #tpu.memory_space<vmem>>
    %dma_wait3A_332 = arith.constant 0 : i32
    %dma_wait3A_333 = tpu.memref_slice %arg3[%dma_wait3A_325, %dma_wait3A_332] : memref<4x100000xf32, #tpu.memory_space<hbm>> -> memref<1x100000xf32, #tpu.memory_space<hbm>>
    %dma_wait3A_334 = tpu.memref_squeeze %dma_wait3A_333 : memref<1x100000xf32, #tpu.memory_space<hbm>> -> memref<100000xf32, #tpu.memory_space<hbm>>
    %dma_wait3A_335 = arith.constant 0 : i32
    %dma_wait3A_336 = tpu.memref_slice %dma_wait3A_334[%dma_wait3A_335] : memref<100000xf32, #tpu.memory_space<hbm>> -> memref<100000xf32, #tpu.memory_space<hbm>>
    tpu.wait_indirect_dma semaphore(%arg7 : memref<!tpu.dma_semaphore, #tpu.memory_space<semaphore_mem>>) src(%dma_wait3A_336 : memref<100000xf32, #tpu.memory_space<hbm>>) dst(%dma_wait3A_329 : memref<128xf32, #tpu.memory_space<vmem>>)
    %dma_wait3A_337 = arith.constant 3 : i32
    %dma_wait3A_338 = arith.constant 3 : i32
    %dma_wait3A_339 = arith.constant 0 : i32
    %dma_wait3A_340 = tpu.memref_slice %arg6[%dma_wait3A_338, %dma_wait3A_339] : memref<4x512xf32, #tpu.memory_space<vmem>> -> memref<1x128xf32, #tpu.memory_space<vmem>>
    %dma_wait3A_341 = tpu.memref_squeeze %dma_wait3A_340 : memref<1x128xf32, #tpu.memory_space<vmem>> -> memref<128xf32, #tpu.memory_space<vmem>>
    %dma_wait3A_342 = arith.constant 0 : i32
    %dma_wait3A_343 = tpu.memref_slice %arg5[%dma_wait3A_342] : memref<512xi32, #tpu.memory_space<vmem>> -> memref<128xi32, #tpu.memory_space<vmem>>
    %dma_wait3A_344 = arith.constant 0 : i32
    %dma_wait3A_345 = tpu.memref_slice %arg3[%dma_wait3A_337, %dma_wait3A_344] : memref<4x100000xf32, #tpu.memory_space<hbm>> -> memref<1x100000xf32, #tpu.memory_space<hbm>>
    %dma_wait3A_346 = tpu.memref_squeeze %dma_wait3A_345 : memref<1x100000xf32, #tpu.memory_space<hbm>> -> memref<100000xf32, #tpu.memory_space<hbm>>
    %dma_wait3A_347 = arith.constant 0 : i32
    %dma_wait3A_348 = tpu.memref_slice %dma_wait3A_346[%dma_wait3A_347] : memref<100000xf32, #tpu.memory_space<hbm>> -> memref<100000xf32, #tpu.memory_space<hbm>>
    tpu.wait_indirect_dma semaphore(%arg7 : memref<!tpu.dma_semaphore, #tpu.memory_space<semaphore_mem>>) src(%dma_wait3A_348 : memref<100000xf32, #tpu.memory_space<hbm>>) dst(%dma_wait3A_341 : memref<128xf32, #tpu.memory_space<vmem>>)
    %dma_wait3A_349 = arith.constant 3 : i32
    %dma_wait3A_350 = arith.constant 3 : i32
    %dma_wait3A_351 = arith.constant 128 : i32
    %dma_wait3A_352 = tpu.memref_slice %arg6[%dma_wait3A_350, %dma_wait3A_351] : memref<4x512xf32, #tpu.memory_space<vmem>> -> memref<1x128xf32, #tpu.memory_space<vmem>>
    %dma_wait3A_353 = tpu.memref_squeeze %dma_wait3A_352 : memref<1x128xf32, #tpu.memory_space<vmem>> -> memref<128xf32, #tpu.memory_space<vmem>>
    %dma_wait3A_354 = arith.constant 128 : i32
    %dma_wait3A_355 = tpu.memref_slice %arg5[%dma_wait3A_354] : memref<512xi32, #tpu.memory_space<vmem>> -> memref<128xi32, #tpu.memory_space<vmem>>
    %dma_wait3A_356 = arith.constant 0 : i32
    %dma_wait3A_357 = tpu.memref_slice %arg3[%dma_wait3A_349, %dma_wait3A_356] : memref<4x100000xf32, #tpu.memory_space<hbm>> -> memref<1x100000xf32, #tpu.memory_space<hbm>>
    %dma_wait3A_358 = tpu.memref_squeeze %dma_wait3A_357 : memref<1x100000xf32, #tpu.memory_space<hbm>> -> memref<100000xf32, #tpu.memory_space<hbm>>
    %dma_wait3A_359 = arith.constant 0 : i32
    %dma_wait3A_360 = tpu.memref_slice %dma_wait3A_358[%dma_wait3A_359] : memref<100000xf32, #tpu.memory_space<hbm>> -> memref<100000xf32, #tpu.memory_space<hbm>>
    tpu.wait_indirect_dma semaphore(%arg7 : memref<!tpu.dma_semaphore, #tpu.memory_space<semaphore_mem>>) src(%dma_wait3A_360 : memref<100000xf32, #tpu.memory_space<hbm>>) dst(%dma_wait3A_353 : memref<128xf32, #tpu.memory_space<vmem>>)
    %dma_wait3A_361 = arith.constant 3 : i32
    %dma_wait3A_362 = arith.constant 3 : i32
    %dma_wait3A_363 = arith.constant 256 : i32
    %dma_wait3A_364 = tpu.memref_slice %arg6[%dma_wait3A_362, %dma_wait3A_363] : memref<4x512xf32, #tpu.memory_space<vmem>> -> memref<1x128xf32, #tpu.memory_space<vmem>>
    %dma_wait3A_365 = tpu.memref_squeeze %dma_wait3A_364 : memref<1x128xf32, #tpu.memory_space<vmem>> -> memref<128xf32, #tpu.memory_space<vmem>>
    %dma_wait3A_366 = arith.constant 256 : i32
    %dma_wait3A_367 = tpu.memref_slice %arg5[%dma_wait3A_366] : memref<512xi32, #tpu.memory_space<vmem>> -> memref<128xi32, #tpu.memory_space<vmem>>
    %dma_wait3A_368 = arith.constant 0 : i32
    %dma_wait3A_369 = tpu.memref_slice %arg3[%dma_wait3A_361, %dma_wait3A_368] : memref<4x100000xf32, #tpu.memory_space<hbm>> -> memref<1x100000xf32, #tpu.memory_space<hbm>>
    %dma_wait3A_370 = tpu.memref_squeeze %dma_wait3A_369 : memref<1x100000xf32, #tpu.memory_space<hbm>> -> memref<100000xf32, #tpu.memory_space<hbm>>
    %dma_wait3A_371 = arith.constant 0 : i32
    %dma_wait3A_372 = tpu.memref_slice %dma_wait3A_370[%dma_wait3A_371] : memref<100000xf32, #tpu.memory_space<hbm>> -> memref<100000xf32, #tpu.memory_space<hbm>>
    tpu.wait_indirect_dma semaphore(%arg7 : memref<!tpu.dma_semaphore, #tpu.memory_space<semaphore_mem>>) src(%dma_wait3A_372 : memref<100000xf32, #tpu.memory_space<hbm>>) dst(%dma_wait3A_365 : memref<128xf32, #tpu.memory_space<vmem>>)
    %dma_wait3A_373 = arith.constant 3 : i32
    %dma_wait3A_374 = arith.constant 3 : i32
    %dma_wait3A_375 = arith.constant 384 : i32
    %dma_wait3A_376 = tpu.memref_slice %arg6[%dma_wait3A_374, %dma_wait3A_375] : memref<4x512xf32, #tpu.memory_space<vmem>> -> memref<1x128xf32, #tpu.memory_space<vmem>>
    %dma_wait3A_377 = tpu.memref_squeeze %dma_wait3A_376 : memref<1x128xf32, #tpu.memory_space<vmem>> -> memref<128xf32, #tpu.memory_space<vmem>>
    %dma_wait3A_378 = arith.constant 384 : i32
    %dma_wait3A_379 = tpu.memref_slice %arg5[%dma_wait3A_378] : memref<512xi32, #tpu.memory_space<vmem>> -> memref<128xi32, #tpu.memory_space<vmem>>
    %dma_wait3A_380 = arith.constant 0 : i32
    %dma_wait3A_381 = tpu.memref_slice %arg3[%dma_wait3A_373, %dma_wait3A_380] : memref<4x100000xf32, #tpu.memory_space<hbm>> -> memref<1x100000xf32, #tpu.memory_space<hbm>>
    %dma_wait3A_382 = tpu.memref_squeeze %dma_wait3A_381 : memref<1x100000xf32, #tpu.memory_space<hbm>> -> memref<100000xf32, #tpu.memory_space<hbm>>
    %dma_wait3A_383 = arith.constant 0 : i32
    %dma_wait3A_384 = tpu.memref_slice %dma_wait3A_382[%dma_wait3A_383] : memref<100000xf32, #tpu.memory_space<hbm>> -> memref<100000xf32, #tpu.memory_space<hbm>>
    tpu.wait_indirect_dma semaphore(%arg7 : memref<!tpu.dma_semaphore, #tpu.memory_space<semaphore_mem>>) src(%dma_wait3A_384 : memref<100000xf32, #tpu.memory_space<hbm>>) dst(%dma_wait3A_377 : memref<128xf32, #tpu.memory_space<vmem>>)
    %run_scoped3A = arith.constant 0 : i32
    %run_scoped3A_385 = arith.constant 0 : i32
    "tpu.region"() ({
      %run_scoped3A_392 = tpu.sem_alloc : memref<!tpu.dma_semaphore, #tpu.memory_space<semaphore_mem>>
      %dma_start3A_393 = arith.constant 0 : i32
      %dma_start3A_394 = tpu.memref_slice %arg6[%run_scoped3A, %dma_start3A_393] : memref<4x512xf32, #tpu.memory_space<vmem>> -> memref<1x512xf32, #tpu.memory_space<vmem>>
      %dma_start3A_395 = tpu.memref_squeeze %dma_start3A_394 : memref<1x512xf32, #tpu.memory_space<vmem>> -> memref<512xf32, #tpu.memory_space<vmem>>
      %dma_start3A_396 = tpu.memref_slice %arg4[%run_scoped3A_385, %mul3A_2] : memref<4x16384xf32, #tpu.memory_space<hbm>> -> memref<1x512xf32, #tpu.memory_space<hbm>>
      %dma_start3A_397 = tpu.memref_squeeze %dma_start3A_396 : memref<1x512xf32, #tpu.memory_space<hbm>> -> memref<512xf32, #tpu.memory_space<hbm>>
      %dma_start3A_398 = tpu.memref_slice %arg4[%run_scoped3A_385, %mul3A_2] : memref<4x16384xf32, #tpu.memory_space<hbm>> -> memref<1x512xf32, #tpu.memory_space<hbm>>
      %dma_start3A_399 = tpu.memref_squeeze %dma_start3A_398 : memref<1x512xf32, #tpu.memory_space<hbm>> -> memref<512xf32, #tpu.memory_space<hbm>>
      %dma_start3A_400 = arith.constant 0 : i32
      %dma_start3A_401 = tpu.memref_slice %arg6[%run_scoped3A, %dma_start3A_400] : memref<4x512xf32, #tpu.memory_space<vmem>> -> memref<1x512xf32, #tpu.memory_space<vmem>>
      %dma_start3A_402 = tpu.memref_squeeze %dma_start3A_401 : memref<1x512xf32, #tpu.memory_space<vmem>> -> memref<512xf32, #tpu.memory_space<vmem>>
      tpu.enqueue_dma source(%dma_start3A_402 : memref<512xf32, #tpu.memory_space<vmem>>) target(%dma_start3A_399 : memref<512xf32, #tpu.memory_space<hbm>>) target_semaphore(%run_scoped3A_392 : memref<!tpu.dma_semaphore, #tpu.memory_space<semaphore_mem>>)
      %dma_wait3A_403 = arith.constant 0 : i32
      %dma_wait3A_404 = tpu.memref_slice %arg6[%run_scoped3A, %dma_wait3A_403] : memref<4x512xf32, #tpu.memory_space<vmem>> -> memref<1x512xf32, #tpu.memory_space<vmem>>
      %dma_wait3A_405 = tpu.memref_squeeze %dma_wait3A_404 : memref<1x512xf32, #tpu.memory_space<vmem>> -> memref<512xf32, #tpu.memory_space<vmem>>
      %dma_wait3A_406 = tpu.memref_slice %arg4[%run_scoped3A_385, %mul3A_2] : memref<4x16384xf32, #tpu.memory_space<hbm>> -> memref<1x512xf32, #tpu.memory_space<hbm>>
      %dma_wait3A_407 = tpu.memref_squeeze %dma_wait3A_406 : memref<1x512xf32, #tpu.memory_space<hbm>> -> memref<512xf32, #tpu.memory_space<hbm>>
      %dma_wait3A_408 = tpu.memref_slice %arg4[%run_scoped3A_385, %mul3A_2] : memref<4x16384xf32, #tpu.memory_space<hbm>> -> memref<1x512xf32, #tpu.memory_space<hbm>>
      %dma_wait3A_409 = tpu.memref_squeeze %dma_wait3A_408 : memref<1x512xf32, #tpu.memory_space<hbm>> -> memref<512xf32, #tpu.memory_space<hbm>>
      %dma_wait3A_410 = arith.constant 0 : i32
      %dma_wait3A_411 = tpu.memref_slice %arg6[%run_scoped3A, %dma_wait3A_410] : memref<4x512xf32, #tpu.memory_space<vmem>> -> memref<1x512xf32, #tpu.memory_space<vmem>>
      %dma_wait3A_412 = tpu.memref_squeeze %dma_wait3A_411 : memref<1x512xf32, #tpu.memory_space<vmem>> -> memref<512xf32, #tpu.memory_space<vmem>>
      tpu.wait_dma2 semaphore(%run_scoped3A_392 : memref<!tpu.dma_semaphore, #tpu.memory_space<semaphore_mem>>) src(%dma_wait3A_412 : memref<512xf32, #tpu.memory_space<vmem>>) dst(%dma_wait3A_409 : memref<512xf32, #tpu.memory_space<hbm>>)
      tpu.yield
    }) : () -> ()
    %run_scoped3A_386 = arith.constant 1 : i32
    %run_scoped3A_387 = arith.constant 1 : i32
    "tpu.region"() ({
      %run_scoped3A_392 = tpu.sem_alloc : memref<!tpu.dma_semaphore, #tpu.memory_space<semaphore_mem>>
      %dma_start3A_393 = arith.constant 0 : i32
      %dma_start3A_394 = tpu.memref_slice %arg6[%run_scoped3A_386, %dma_start3A_393] : memref<4x512xf32, #tpu.memory_space<vmem>> -> memref<1x512xf32, #tpu.memory_space<vmem>>
      %dma_start3A_395 = tpu.memref_squeeze %dma_start3A_394 : memref<1x512xf32, #tpu.memory_space<vmem>> -> memref<512xf32, #tpu.memory_space<vmem>>
      %dma_start3A_396 = tpu.memref_slice %arg4[%run_scoped3A_387, %mul3A_2] : memref<4x16384xf32, #tpu.memory_space<hbm>> -> memref<1x512xf32, #tpu.memory_space<hbm>>
      %dma_start3A_397 = tpu.memref_squeeze %dma_start3A_396 : memref<1x512xf32, #tpu.memory_space<hbm>> -> memref<512xf32, #tpu.memory_space<hbm>>
      %dma_start3A_398 = tpu.memref_slice %arg4[%run_scoped3A_387, %mul3A_2] : memref<4x16384xf32, #tpu.memory_space<hbm>> -> memref<1x512xf32, #tpu.memory_space<hbm>>
      %dma_start3A_399 = tpu.memref_squeeze %dma_start3A_398 : memref<1x512xf32, #tpu.memory_space<hbm>> -> memref<512xf32, #tpu.memory_space<hbm>>
      %dma_start3A_400 = arith.constant 0 : i32
      %dma_start3A_401 = tpu.memref_slice %arg6[%run_scoped3A_386, %dma_start3A_400] : memref<4x512xf32, #tpu.memory_space<vmem>> -> memref<1x512xf32, #tpu.memory_space<vmem>>
      %dma_start3A_402 = tpu.memref_squeeze %dma_start3A_401 : memref<1x512xf32, #tpu.memory_space<vmem>> -> memref<512xf32, #tpu.memory_space<vmem>>
      tpu.enqueue_dma source(%dma_start3A_402 : memref<512xf32, #tpu.memory_space<vmem>>) target(%dma_start3A_399 : memref<512xf32, #tpu.memory_space<hbm>>) target_semaphore(%run_scoped3A_392 : memref<!tpu.dma_semaphore, #tpu.memory_space<semaphore_mem>>)
      %dma_wait3A_403 = arith.constant 0 : i32
      %dma_wait3A_404 = tpu.memref_slice %arg6[%run_scoped3A_386, %dma_wait3A_403] : memref<4x512xf32, #tpu.memory_space<vmem>> -> memref<1x512xf32, #tpu.memory_space<vmem>>
      %dma_wait3A_405 = tpu.memref_squeeze %dma_wait3A_404 : memref<1x512xf32, #tpu.memory_space<vmem>> -> memref<512xf32, #tpu.memory_space<vmem>>
      %dma_wait3A_406 = tpu.memref_slice %arg4[%run_scoped3A_387, %mul3A_2] : memref<4x16384xf32, #tpu.memory_space<hbm>> -> memref<1x512xf32, #tpu.memory_space<hbm>>
      %dma_wait3A_407 = tpu.memref_squeeze %dma_wait3A_406 : memref<1x512xf32, #tpu.memory_space<hbm>> -> memref<512xf32, #tpu.memory_space<hbm>>
      %dma_wait3A_408 = tpu.memref_slice %arg4[%run_scoped3A_387, %mul3A_2] : memref<4x16384xf32, #tpu.memory_space<hbm>> -> memref<1x512xf32, #tpu.memory_space<hbm>>
      %dma_wait3A_409 = tpu.memref_squeeze %dma_wait3A_408 : memref<1x512xf32, #tpu.memory_space<hbm>> -> memref<512xf32, #tpu.memory_space<hbm>>
      %dma_wait3A_410 = arith.constant 0 : i32
      %dma_wait3A_411 = tpu.memref_slice %arg6[%run_scoped3A_386, %dma_wait3A_410] : memref<4x512xf32, #tpu.memory_space<vmem>> -> memref<1x512xf32, #tpu.memory_space<vmem>>
      %dma_wait3A_412 = tpu.memref_squeeze %dma_wait3A_411 : memref<1x512xf32, #tpu.memory_space<vmem>> -> memref<512xf32, #tpu.memory_space<vmem>>
      tpu.wait_dma2 semaphore(%run_scoped3A_392 : memref<!tpu.dma_semaphore, #tpu.memory_space<semaphore_mem>>) src(%dma_wait3A_412 : memref<512xf32, #tpu.memory_space<vmem>>) dst(%dma_wait3A_409 : memref<512xf32, #tpu.memory_space<hbm>>)
      tpu.yield
    }) : () -> ()
    %run_scoped3A_388 = arith.constant 2 : i32
    %run_scoped3A_389 = arith.constant 2 : i32
    "tpu.region"() ({
      %run_scoped3A_392 = tpu.sem_alloc : memref<!tpu.dma_semaphore, #tpu.memory_space<semaphore_mem>>
      %dma_start3A_393 = arith.constant 0 : i32
      %dma_start3A_394 = tpu.memref_slice %arg6[%run_scoped3A_388, %dma_start3A_393] : memref<4x512xf32, #tpu.memory_space<vmem>> -> memref<1x512xf32, #tpu.memory_space<vmem>>
      %dma_start3A_395 = tpu.memref_squeeze %dma_start3A_394 : memref<1x512xf32, #tpu.memory_space<vmem>> -> memref<512xf32, #tpu.memory_space<vmem>>
      %dma_start3A_396 = tpu.memref_slice %arg4[%run_scoped3A_389, %mul3A_2] : memref<4x16384xf32, #tpu.memory_space<hbm>> -> memref<1x512xf32, #tpu.memory_space<hbm>>
      %dma_start3A_397 = tpu.memref_squeeze %dma_start3A_396 : memref<1x512xf32, #tpu.memory_space<hbm>> -> memref<512xf32, #tpu.memory_space<hbm>>
      %dma_start3A_398 = tpu.memref_slice %arg4[%run_scoped3A_389, %mul3A_2] : memref<4x16384xf32, #tpu.memory_space<hbm>> -> memref<1x512xf32, #tpu.memory_space<hbm>>
      %dma_start3A_399 = tpu.memref_squeeze %dma_start3A_398 : memref<1x512xf32, #tpu.memory_space<hbm>> -> memref<512xf32, #tpu.memory_space<hbm>>
      %dma_start3A_400 = arith.constant 0 : i32
      %dma_start3A_401 = tpu.memref_slice %arg6[%run_scoped3A_388, %dma_start3A_400] : memref<4x512xf32, #tpu.memory_space<vmem>> -> memref<1x512xf32, #tpu.memory_space<vmem>>
      %dma_start3A_402 = tpu.memref_squeeze %dma_start3A_401 : memref<1x512xf32, #tpu.memory_space<vmem>> -> memref<512xf32, #tpu.memory_space<vmem>>
      tpu.enqueue_dma source(%dma_start3A_402 : memref<512xf32, #tpu.memory_space<vmem>>) target(%dma_start3A_399 : memref<512xf32, #tpu.memory_space<hbm>>) target_semaphore(%run_scoped3A_392 : memref<!tpu.dma_semaphore, #tpu.memory_space<semaphore_mem>>)
      %dma_wait3A_403 = arith.constant 0 : i32
      %dma_wait3A_404 = tpu.memref_slice %arg6[%run_scoped3A_388, %dma_wait3A_403] : memref<4x512xf32, #tpu.memory_space<vmem>> -> memref<1x512xf32, #tpu.memory_space<vmem>>
      %dma_wait3A_405 = tpu.memref_squeeze %dma_wait3A_404 : memref<1x512xf32, #tpu.memory_space<vmem>> -> memref<512xf32, #tpu.memory_space<vmem>>
      %dma_wait3A_406 = tpu.memref_slice %arg4[%run_scoped3A_389, %mul3A_2] : memref<4x16384xf32, #tpu.memory_space<hbm>> -> memref<1x512xf32, #tpu.memory_space<hbm>>
      %dma_wait3A_407 = tpu.memref_squeeze %dma_wait3A_406 : memref<1x512xf32, #tpu.memory_space<hbm>> -> memref<512xf32, #tpu.memory_space<hbm>>
      %dma_wait3A_408 = tpu.memref_slice %arg4[%run_scoped3A_389, %mul3A_2] : memref<4x16384xf32, #tpu.memory_space<hbm>> -> memref<1x512xf32, #tpu.memory_space<hbm>>
      %dma_wait3A_409 = tpu.memref_squeeze %dma_wait3A_408 : memref<1x512xf32, #tpu.memory_space<hbm>> -> memref<512xf32, #tpu.memory_space<hbm>>
      %dma_wait3A_410 = arith.constant 0 : i32
      %dma_wait3A_411 = tpu.memref_slice %arg6[%run_scoped3A_388, %dma_wait3A_410] : memref<4x512xf32, #tpu.memory_space<vmem>> -> memref<1x512xf32, #tpu.memory_space<vmem>>
      %dma_wait3A_412 = tpu.memref_squeeze %dma_wait3A_411 : memref<1x512xf32, #tpu.memory_space<vmem>> -> memref<512xf32, #tpu.memory_space<vmem>>
      tpu.wait_dma2 semaphore(%run_scoped3A_392 : memref<!tpu.dma_semaphore, #tpu.memory_space<semaphore_mem>>) src(%dma_wait3A_412 : memref<512xf32, #tpu.memory_space<vmem>>) dst(%dma_wait3A_409 : memref<512xf32, #tpu.memory_space<hbm>>)
      tpu.yield
    }) : () -> ()
    %run_scoped3A_390 = arith.constant 3 : i32
    %run_scoped3A_391 = arith.constant 3 : i32
    "tpu.region"() ({
      %run_scoped3A_392 = tpu.sem_alloc : memref<!tpu.dma_semaphore, #tpu.memory_space<semaphore_mem>>
      %dma_start3A_393 = arith.constant 0 : i32
      %dma_start3A_394 = tpu.memref_slice %arg6[%run_scoped3A_390, %dma_start3A_393] : memref<4x512xf32, #tpu.memory_space<vmem>> -> memref<1x512xf32, #tpu.memory_space<vmem>>
      %dma_start3A_395 = tpu.memref_squeeze %dma_start3A_394 : memref<1x512xf32, #tpu.memory_space<vmem>> -> memref<512xf32, #tpu.memory_space<vmem>>
      %dma_start3A_396 = tpu.memref_slice %arg4[%run_scoped3A_391, %mul3A_2] : memref<4x16384xf32, #tpu.memory_space<hbm>> -> memref<1x512xf32, #tpu.memory_space<hbm>>
      %dma_start3A_397 = tpu.memref_squeeze %dma_start3A_396 : memref<1x512xf32, #tpu.memory_space<hbm>> -> memref<512xf32, #tpu.memory_space<hbm>>
      %dma_start3A_398 = tpu.memref_slice %arg4[%run_scoped3A_391, %mul3A_2] : memref<4x16384xf32, #tpu.memory_space<hbm>> -> memref<1x512xf32, #tpu.memory_space<hbm>>
      %dma_start3A_399 = tpu.memref_squeeze %dma_start3A_398 : memref<1x512xf32, #tpu.memory_space<hbm>> -> memref<512xf32, #tpu.memory_space<hbm>>
      %dma_start3A_400 = arith.constant 0 : i32
      %dma_start3A_401 = tpu.memref_slice %arg6[%run_scoped3A_390, %dma_start3A_400] : memref<4x512xf32, #tpu.memory_space<vmem>> -> memref<1x512xf32, #tpu.memory_space<vmem>>
      %dma_start3A_402 = tpu.memref_squeeze %dma_start3A_401 : memref<1x512xf32, #tpu.memory_space<vmem>> -> memref<512xf32, #tpu.memory_space<vmem>>
      tpu.enqueue_dma source(%dma_start3A_402 : memref<512xf32, #tpu.memory_space<vmem>>) target(%dma_start3A_399 : memref<512xf32, #tpu.memory_space<hbm>>) target_semaphore(%run_scoped3A_392 : memref<!tpu.dma_semaphore, #tpu.memory_space<semaphore_mem>>)
      %dma_wait3A_403 = arith.constant 0 : i32
      %dma_wait3A_404 = tpu.memref_slice %arg6[%run_scoped3A_390, %dma_wait3A_403] : memref<4x512xf32, #tpu.memory_space<vmem>> -> memref<1x512xf32, #tpu.memory_space<vmem>>
      %dma_wait3A_405 = tpu.memref_squeeze %dma_wait3A_404 : memref<1x512xf32, #tpu.memory_space<vmem>> -> memref<512xf32, #tpu.memory_space<vmem>>
      %dma_wait3A_406 = tpu.memref_slice %arg4[%run_scoped3A_391, %mul3A_2] : memref<4x16384xf32, #tpu.memory_space<hbm>> -> memref<1x512xf32, #tpu.memory_space<hbm>>
      %dma_wait3A_407 = tpu.memref_squeeze %dma_wait3A_406 : memref<1x512xf32, #tpu.memory_space<hbm>> -> memref<512xf32, #tpu.memory_space<hbm>>
      %dma_wait3A_408 = tpu.memref_slice %arg4[%run_scoped3A_391, %mul3A_2] : memref<4x16384xf32, #tpu.memory_space<hbm>> -> memref<1x512xf32, #tpu.memory_space<hbm>>
      %dma_wait3A_409 = tpu.memref_squeeze %dma_wait3A_408 : memref<1x512xf32, #tpu.memory_space<hbm>> -> memref<512xf32, #tpu.memory_space<hbm>>
      %dma_wait3A_410 = arith.constant 0 : i32
      %dma_wait3A_411 = tpu.memref_slice %arg6[%run_scoped3A_390, %dma_wait3A_410] : memref<4x512xf32, #tpu.memory_space<vmem>> -> memref<1x512xf32, #tpu.memory_space<vmem>>
      %dma_wait3A_412 = tpu.memref_squeeze %dma_wait3A_411 : memref<1x512xf32, #tpu.memory_space<vmem>> -> memref<512xf32, #tpu.memory_space<vmem>>
      tpu.wait_dma2 semaphore(%run_scoped3A_392 : memref<!tpu.dma_semaphore, #tpu.memory_space<semaphore_mem>>) src(%dma_wait3A_412 : memref<512xf32, #tpu.memory_space<vmem>>) dst(%dma_wait3A_409 : memref<512xf32, #tpu.memory_space<hbm>>)
      tpu.yield
    }) : () -> ()
    return
  }
}

</mosaic_0001>

<sc_bundles>
// kernel: kernel.3.cloned.1.call-start
scs
__scs_entry_jumppad:
0x0: {  	(pc) =	sbr.rel $0x88, $3  }
0x1: {  	(tag) =	ssettag $0x0;
	lr =	simm.s32 $0x1  }
0x2: {  	[smem:$0x3F9F] =	sst lr;
	_ =	strace $0xD0000000  }
0x3: {  	_ = 	snop  }
0x4: {  	_ = 	snop  }
0x5: {  	_ = 	snop  }
0x6: {  	_ = 	snop  }
0x7: {  	_ = 	snop  }
__scs_overlays_trampoline_lowered:
0x8: {  	[smem:$0x3FAE] =	sst s0  }
0x9: {  	[smem:$0x3FAF] =	sst s1  }
0xa: {  	[smem:$0x3FB0] =	sst s2  }
0xb: {  	[smem:$0x3FB1] =	sst s3  }
0xc: {  	[smem:$0x3FB2] =	sst s4  }
0xd: {  	[smem:$0x3FB3] =	sst s5  }
0xe: {  	[smem:$0x3FB4] =	sst s6  }
0xf: {  	[smem:$0x3FB5] =	sst s7  }
0x10: {  	[smem:$0x3FB6] =	sst s8  }
0x11: {  	[smem:$0x3FB7] =	sst s9;
	s0 =	simm.s32 @!p0 $0x0  }
0x12: {  	s1 =	sld [smem:$0x3F9D];
	s0 =	simm.s32 @p0 $0x1  }
0x13: {  	[smem:$0x3FB8] =	sst s0;
	s0 =	simm.s32 @!p1 $0x0  }
0x14: {  	s2 =	sld [smem:$0x3F9C];
	s0 =	simm.s32 @p1 $0x1  }
0x15: {  	[smem:$0x3FB9] =	sst s0;
	s0 =	simm.s32 @!p2 $0x0  }
0x16: {  	s3 =	sld [smem:$0x3FDB];
	s0 =	simm.s32 @p2 $0x1  }
0x17: {  	s4 =	simm.s32 $0x1BF5;
	[smem:$0x3FBB] =	sst s0  }
0x18: {  	s0 =	sld [smem:$0x3F9E];
	_ =	swait.ge [sflag:s4], $0x0  }
0x19: {  	s7 =	sld [smem:$0x3F9F]  }
0x1a: {  	s8 =	sadd.s32 $0xFFFFE003, lr  }
0x1b: {  	s9 =	sadd.s32 $0xFFFFFEF7, lr;
	s5 =	simm.s32 $0xFFFFFFFF;
	p2 =	slt.u32 s8, $0xFFFFF086  }
0x1c: {  	p1 =	slt.u32 s9, $0xF7A;
	s5 =	simm.s32 @!p2 $0x0  }
0x1d: {  	s5 =	simm.s32 @p1 $0x1;
	p0 =	seq.s32 s7, s2  }
0x1e: {  	s7 =	smul.u32 @!p0 $0xF7A, s2;
	p2 =	seq.s32 @!p0 s5, $0x0  }
0x1f: {  	s9 =	smul.u32 $0xF7A, s1;
	s8 =	simm.s32 @!p0 $0x1BF5;
	p2 =	por !p2, p0  }
0x20: {  	[sflag:s8] =	ssyncset.s32 @!p0 $0xFFFFF086;
	s6 =	sadd.s32 @!p0 s3, s7;
	s7 =	simm.s32 @!p0 $0x108  }
0x21: {  	s3 =	sadd.s32 s3, s9;
	s6 =	sadd.s32 @!p0 $0x88, s6;
	s7 =	simm.s32 @p2 $0x1082  }
0x22: {  	[simem:s7], [sflag:s8] =	dma.local @!p0 [hbm:s6], $0xF7A  }
0x23: {  	s9 =	sor.u32 $0xD0000000, s2;
	s6 =	simm.s32 $0x108;
	_ =	swait.ge @!p0 [sflag:s8], $0x0  }
0x24: {  	s3 =	sadd.s32 $0x88, s3;
	s6 =	simm.s32 @!p1 $0x1082;
	[sflag:s4] =	ssyncset.s32 $0xFFFFF086  }
0x25: {  	[simem:s6], [sflag:s4] =	dma.local [hbm:s3], $0xF7A  }
0x26: {  	[smem:$0x3F9F] =	sst s1;
	(tag) =	ssettag s2;
	_ =	strace s9  }
0x27: {  	s1 =	sld [smem:$0x3FAF]  }
0x28: {  	s2 =	sld [smem:$0x3FB0]  }
0x29: {  	s4 =	sld [smem:$0x3FB2]  }
0x2a: {  	p0 =	seq.s32 s5, $0x0;
	s5 =	sld [smem:$0x3FB3]  }
0x2b: {  	s6 =	sld [smem:$0x3FB4]  }
0x2c: {  	s7 =	sld [smem:$0x3FB5]  }
0x2d: {  	s3 =	simm.s32 $0x108;
	s8 =	sld [smem:$0x3FB6]  }
0x2e: {  	s3 =	simm.s32 @!p0 $0x1082;
	s9 =	sld [smem:$0x3FB7]  }
0x2f: {  	lr =	sadd.s32 s0, s3;
	s0 =	sld [smem:$0x3FAE]  }
0x30: {  	s3 =	sld [smem:$0x3FB1]  }
0x31: {  	[smem:$0x3FBA] =	sst s10  }
0x32: {  	s10 =	sld [smem:$0x3FB8];
	_ =	sdelay $0x3  }
0x33: {  	p0 =	seq.s32 s10, $0x1;
	s10 =	sld [smem:$0x3FBA];
	_ =	sdelay $0x3  }
0x34: {  	[smem:$0x3FBA] =	sst s10  }
0x35: {  	s10 =	sld [smem:$0x3FB9];
	_ =	sdelay $0x3  }
0x36: {  	p1 =	seq.s32 s10, $0x1;
	s10 =	sld [smem:$0x3FBA];
	_ =	sdelay $0x3  }
0x37: {  	[smem:$0x3FBA] =	sst s10  }
0x38: {  	s10 =	sld [smem:$0x3FBB]  }
0x39: {  	_ = 	snop;
	(pc) =	sbr.ind lr, $3  }
0x3a: {  	_ = 	snop  }
0x3b: {  	_ = 	snop  }
0x3c: {  	p2 =	seq.s32 s10, $0x1;
	s10 =	sld [smem:$0x3FBA]  }
0x3d: {  	_ =	shalt  }
0x3e: {  	_ =	shalt  }
0x3f: {  	_ =	shalt  }
0x40: {  	_ =	shalt  }
0x41: {  	_ =	shalt  }
0x42: {  	_ =	shalt  }
0x43: {  	_ =	shalt  }
0x44: {  	_ =	shalt  }
0x45: {  	_ =	shalt  }
0x46: {  	_ =	shalt  }
0x47: {  	_ =	shalt  }
0x48: {  	_ =	shalt  }
0x49: {  	_ =	shalt  }
0x4a: {  	_ =	shalt  }
0x4b: {  	_ =	shalt  }
0x4c: {  	_ =	shalt  }
0x4d: {  	_ =	shalt  }
0x4e: {  	_ =	shalt  }
0x4f: {  	_ =	shalt  }
0x50: {  	_ =	shalt  }
0x51: {  	_ =	shalt  }
0x52: {  	_ =	shalt  }
0x53: {  	_ =	shalt  }
0x54: {  	_ =	shalt  }
0x55: {  	_ =	shalt  }
0x56: {  	_ =	shalt  }
0x57: {  	_ =	shalt  }
0x58: {  	_ =	shalt  }
0x59: {  	_ =	shalt  }
0x5a: {  	_ =	shalt  }
0x5b: {  	_ =	shalt  }
0x5c: {  	_ =	shalt  }
0x5d: {  	_ =	shalt  }
0x5e: {  	_ =	shalt  }
0x5f: {  	_ =	shalt  }
0x60: {  	_ =	shalt  }
0x61: {  	_ =	shalt  }
0x62: {  	_ =	shalt  }
0x63: {  	_ =	shalt  }
0x64: {  	_ =	shalt  }
0x65: {  	_ =	shalt  }
0x66: {  	_ =	shalt  }
0x67: {  	_ =	shalt  }
0x68: {  	_ =	shalt  }
0x69: {  	_ =	shalt  }
0x6a: {  	_ =	shalt  }
0x6b: {  	_ =	shalt  }
0x6c: {  	_ =	shalt  }
0x6d: {  	_ =	shalt  }
0x6e: {  	_ =	shalt  }
0x6f: {  	_ =	shalt  }
0x70: {  	_ =	shalt  }
0x71: {  	_ =	shalt  }
0x72: {  	_ =	shalt  }
0x73: {  	_ =	shalt  }
0x74: {  	_ =	shalt  }
0x75: {  	_ =	shalt  }
0x76: {  	_ =	shalt  }
0x77: {  	_ =	shalt  }
0x78: {  	_ =	shalt  }
0x79: {  	_ =	shalt  }
0x7a: {  	_ =	shalt  }
0x7b: {  	_ =	shalt  }
0x7c: {  	_ =	shalt  }
0x7d: {  	_ =	shalt  }
0x7e: {  	_ =	shalt  }
0x7f: {  	_ =	shalt  }
0x80: {  	_ =	shalt  }
0x81: {  	_ =	shalt  }
0x82: {  	_ =	shalt  }
0x83: {  	_ =	shalt  }
0x84: {  	_ =	shalt  }
0x85: {  	_ =	shalt  }
0x86: {  	_ =	shalt  }
0x87: {  	_ =	shalt  }
.Lfunc_end0:
.L_simem_size_0:
called_computation_lowered:
.L_overlay_start_0:
0x88: {  	s2 =	sld [smem:$0x3FD9]  }
0x89: {  	s3 =	sld [smem:$0x3FFE];
	_ =	sdelay $0x1  }
0x8a: {  	s1 =	srdreg.scid  }
0x8b: {  	s0 =	sand.u32 $0x1, s1  }
0x8c: {  	s17 =	sshll.u32 s0, $0xA;
	s2 =	sadd.s32 s3, s2  }
0x8d: {  	s2 =	sadd.s32 s2, s17  }
0x8e: {  	[smem:$0x3FC6] =	sst s2  }
0x8f: {  	_ = 	snop  }
0x90: {  	s2 =	sld [smem:$0x3FC9];
	(tm) =	ssettm $0x1  }
0x91: {  	s18 =	sld [smem:$0x3FFB];
	_ =	sdelay $0x3  }
0x92: {  	_ =	strace s18  }
0x93: {  	s3 =	sld [smem:$0x3FFC];
	_ =	sdelay $0x3  }
0x94: {  	_ =	strace s3  }
0x95: {  	s3 =	sld [smem:$0x3FFD];
	_ =	sdelay $0x3  }
0x96: {  	_ =	strace s3  }
0x97: {  	_ =	strace $0x8FFFFFFF  }
0x98: {  	s19 =	sld [smem:$0x3FDB];
	_ =	sdelay $0x1  }
0x99: {  	s4 =	simm.s32 $_scs_section_size  }
0x9a: {  	s5 =	simm.s32 $_size__tile_overlayer_lowered;
	s6 =	simm.s32 $_tile_overlayer_lowered  }
0x9b: {  	s22 =	simm.s32 $0x1BFF;
	s21 =	sshll.u32 s6, $0x1;
	s3 =	sadd.s32 s4, s19  }
0x9c: {  	s7 =	simm.s32 $0x0;
	s20 =	sshll.u32 s5, $0x1;
	s5 =	sadd.s32 s21, s3  }
0x9d: {  	[timem:s7], [sflag:s22] =	dma.local [hbm:s5], s20  }
0x9e: {  	_ =	swait.ge [sflag:s22], s20  }
0x9f: {  	s4 =	ssub.s32 $0x0, s20;
	[sflag:s22] =	ssyncset.done $0x0  }
0xa0: {  	[sflag:s22] =	ssyncadd.s32 s4;
	_ =	sdelay $0x1  }
0xa1: {  	s23 =	simm.s32 $0x1B8B  }
0xa2: {  	_ =	swait.ge [sflag:s23], $0x1  }
0xa3: {  	[sflag:s23] =	ssyncset.done $0x0  }
0xa4: {  	s25 =	simm.s32 $0x1B8E;
	s24 =	sld [smem:$0x3FFE];
	[sflag:s23] =	ssyncadd.s32 $0xFFFFFFFF  }
0xa5: {  	s26 =	simm.s32 $execute0_lowered;
	[smem:$0x3FD2] =	sst s25  }
0xa6: {  	s5 =	sshll.u32 s26, $0x1;
	_ =	strace $0x80000046;
	[dreg:$0x1] =	wrdreg $0xFFFFFFFF  }
0xa7: {  	s28 =	simm.s32 $_size_execute0_lowered;
	s3 =	sadd.s32 s3, s5;
	[dreg:$0x0] =	wrdreg $0x0  }
0xa8: {  	s5 =	sshll.u32 s28, $0x1;
	[dreg:$0x2] =	wrdreg s3  }
0xa9: {  	[dreg:$0x3] =	wrdreg s5  }
0xaa: {  	[dreg:$0x4] =	wrdreg $0xC0  }
0xab: {  	_ =	task [dreg:s7], $0x5FFFF  }
0xac: {  	[dreg:$0x1] =	wrdreg $0xFFFFFFFF  }
0xad: {  	[dreg:$0x0] =	wrdreg $0x60  }
0xae: {  	[dreg:$0x2] =	wrdreg s2  }
0xaf: {  	[dreg:$0x3] =	wrdreg s24  }
0xb0: {  	[dreg:$0x4] =	wrdreg $0x9  }
0xb1: {  	_ =	task.clear_ibuf [dreg:s7], $0x5FFFF;
	_ =	strace $0x90000046  }
0xb2: {  	s29 =	simm.s32 $0x9;
	_ =	strace $0x80000048  }
0xb3: {  	_ =	swait.ge [sflag:s29], $0x1  }
0xb4: {  	[sflag:s29] =	ssyncadd.s32 $0xFFFFFFFF  }
0xb5: {  	_ =	strace $0x90000048  }
0xb6: {  	_ =	sfence  }
0xb7: {  	s30 =	sld [smem:$0x0];
	_ =	sdelay $0x2  }
0xb8: {  	s31 =	sshll.u32 s1, $0xD;
	s1 =	sshrl.u32 s1, $0x2  }
0xb9: {  	s3 =	sand.u32 $0x4000, s31;
	s1 =	sadd.s32 s1, s30  }
0xba: {  	s0 =	sor.u32 s3, s0;
	s1 =	sshll.u32 s1, $0x11  }
0xbb: {  	s0 =	sor.u32 s1, s0  }
0xbc: {  	s0 =	sadd.s32 $0x8F2B, s0  }
0xbd: {  	[sflag:s0] =	ssyncadd.remote.s32 $0x1  }
0xbe: {  	_ =	sfence.sel $0xFFFF  }
0xbf: {  	[dreg:$0x0] =	wrdreg $0xFFFFFFFF;
	(pc) =	sbr.abs _section_cstart, $3  }
0xc0: {  	[dreg:$0x1] =	wrdreg $0xFFFFFFFF  }
0xc1: {  	_ =	task.clear_ibuf [dreg:s7], $0x2FFFF;
	_ =	strace $0x9FFFFFFF  }
0xc2: {  	(tm) =	ssettm $0x7FFFFFFF  }
0xc3: {  	_ =	shalt  }
tec
execute0_lowered:
.L_overlay_start_1:
0x0: {  	(tag) =	ssettag $0x1  }
0x1: {  	s0 =	rddreg [dreg:$0x0]  }
0x2: {  	s1 =	rddreg [dreg:$0x1]  }
0x3: {  	s2 =	simm.s32 $0x0;
	s3 =	srdreg.scid;
	s4 =	stileid.u32  }
0x4: {  	s16 =	simm.s32 $0x80;
	s19 =	simm.s32 $0x280;
	s17 =	simm.s32 $0x100  }
0x5: {  	s20 =	simm.s32 $0x300;
	s18 =	simm.s32 $0x180;
	s21 =	simm.s32 $0x380  }
0x6: {  	s8 =	simm.s32 $0x400;
	s22 =	simm.s32 $0x480;
	s23 =	simm.s32 $0x500  }
0x7: {  	s24 =	simm.s32 $0x580;
	s25 =	simm.s32 $0x680;
	s26 =	simm.s32 $0x700  }
0x8: {  	p0 =	por $0x0, $0x0;
	s28 =	simm.s32 $0x780;
	s29 =	simm.s32 $0x880  }
0x9: {  	s30 =	simm.s32 $0x900;
	s31 =	simm.s32 $0x980;
	s3 =	sand.u32 $0x1, s3  }
0xa: {  	[smem:$0x7FF] =	sst s2;
	s5 =	sshll.u32 s3, $0x6;
	s3 =	ssub.s32 $0x2, s3  }
0xb: {  	s4 =	sshll.u32 s4, $0x7;
	s13 =	sadd.s32 $0x400, s1;
	s9 =	sshrl.u32 s3, $0x1  }
0xc: {  	s15 =	sadd.s32 $0x34D4, s1;
	s14 =	sadd.s32 $0x65A8, s1;
	s3 =	ssub.s32 s3, s9  }
0xd: {  	s12 =	sadd.s32 $0x967C, s1;
	s4 =	sor.u32 s5, s4;
	s11 =	smax.u32 s3, $0x1  }
0xe: {  	_ =	strace $0x80000047;
	s7 =	sadd.s32 s4, s1;
	p1 =	sne.s32 s11, $0x1  }
.Ltmp0:
0xf: {  	s0 =	sadd.s32 s0, s4;
	s9 =	simm.s32 $0x600;
	(pc) =	sbr.rel @!p1 .LBB2_3-.Ltmp0, $4  }
0x10: {  	[dreg:$0x3] =	wrdreg s0;
	s10 =	sadd.s32 $0xC800, s7;
	s6 =	sadd.s32 $0xD000, s7  }
0x11: {  	s5 =	sadd.s32 $0xD800, s7;
	s4 =	sadd.s32 $0xE000, s7;
	s3 =	simm.s32 $0x2  }
0x12: {  	s7 =	simm.s32 $0x200;
	[dreg:$0x4] =	wrdreg s10;
	s0 =	sadd.s32 $0xFFFFFFFF, s11  }
0x13: {  	s10 =	simm.s32 $0x800;
	s11 =	simm.s32 $0x1;
	s1 =	rddreg [dreg:$0x3]  }
0x14: {  	[tilespmem:s2], [sflag:$0x2] =	stream.linear.gather [hbm4b:s1+s2], $0x200, $0x38;
	[tilespmem:$0xA00] =	vst v63  }
0x15: {  	_ =	swait.ge [sflag:s3], $0x200  }
0x16: {  	[sflag:s3] =	ssyncset.done $0x0  }
0x17: {  	[sflag:s3] =	ssyncadd.s32 $0xFFFFFE00  }
0x18: {  	[tilespmem:s7], [sflag:$0x1] =	stream.indirect.gather [hbm4b:s13+s16], $0x1, s2, s16, $0xb8;
	[tilespmem:$0xA00] =	vst v63  }
0x19: {  	_ = 	snop  }
0x1a: {  	[tilespmem:s19], [sflag:$0x1] =	stream.indirect.gather [hbm4b:s13+s16], $0x1, s16, s16, $0xb8;
	[tilespmem:$0xA00] =	vst v63  }
0x1b: {  	_ = 	snop  }
0x1c: {  	[tilespmem:s20], [sflag:$0x1] =	stream.indirect.gather [hbm4b:s13+s16], $0x1, s17, s16, $0xb8;
	[tilespmem:$0xA00] =	vst v63  }
0x1d: {  	_ = 	snop  }
0x1e: {  	[tilespmem:s21], [sflag:$0x1] =	stream.indirect.gather [hbm4b:s13+s16], $0x1, s18, s16, $0xb8;
	[tilespmem:$0xA00] =	vst v63  }
0x1f: {  	_ = 	snop  }
0x20: {  	[tilespmem:s8], [sflag:$0x1] =	stream.indirect.gather [hbm4b:s15+s16], $0x1, s2, s16, $0xb8;
	[tilespmem:$0xA00] =	vst v63  }
0x21: {  	_ = 	snop  }
0x22: {  	[tilespmem:s22], [sflag:$0x1] =	stream.indirect.gather [hbm4b:s15+s16], $0x1, s16, s16, $0xb8;
	[tilespmem:$0xA00] =	vst v63  }
0x23: {  	_ = 	snop  }
0x24: {  	[tilespmem:s23], [sflag:$0x1] =	stream.indirect.gather [hbm4b:s15+s16], $0x1, s17, s16, $0xb8;
	[tilespmem:$0xA00] =	vst v63  }
0x25: {  	_ = 	snop  }
0x26: {  	[tilespmem:s24], [sflag:$0x1] =	stream.indirect.gather [hbm4b:s15+s16], $0x1, s18, s16, $0xb8;
	[tilespmem:$0xA00] =	vst v63  }
0x27: {  	_ = 	snop  }
0x28: {  	[tilespmem:s9], [sflag:$0x1] =	stream.indirect.gather [hbm4b:s14+s16], $0x1, s2, s16, $0xb8;
	[tilespmem:$0xA00] =	vst v63  }
0x29: {  	_ = 	snop  }
0x2a: {  	[tilespmem:s25], [sflag:$0x1] =	stream.indirect.gather [hbm4b:s14+s16], $0x1, s16, s16, $0xb8;
	[tilespmem:$0xA00] =	vst v63  }
0x2b: {  	_ = 	snop  }
0x2c: {  	[tilespmem:s26], [sflag:$0x1] =	stream.indirect.gather [hbm4b:s14+s16], $0x1, s17, s16, $0xb8;
	[tilespmem:$0xA00] =	vst v63  }
0x2d: {  	_ = 	snop  }
0x2e: {  	[tilespmem:s28], [sflag:$0x1] =	stream.indirect.gather [hbm4b:s14+s16], $0x1, s18, s16, $0xb8;
	[tilespmem:$0xA00] =	vst v63  }
0x2f: {  	_ = 	snop  }
0x30: {  	[tilespmem:s10], [sflag:$0x1] =	stream.indirect.gather [hbm4b:s12+s16], $0x1, s2, s16, $0xb8;
	[tilespmem:$0xA00] =	vst v63  }
0x31: {  	_ = 	snop  }
0x32: {  	[tilespmem:s29], [sflag:$0x1] =	stream.indirect.gather [hbm4b:s12+s16], $0x1, s16, s16, $0xb8;
	[tilespmem:$0xA00] =	vst v63  }
0x33: {  	_ = 	snop  }
0x34: {  	[tilespmem:s30], [sflag:$0x1] =	stream.indirect.gather [hbm4b:s12+s16], $0x1, s17, s16, $0xb8;
	[tilespmem:$0xA00] =	vst v63  }
0x35: {  	_ = 	snop  }
0x36: {  	[tilespmem:s31], [sflag:$0x1] =	stream.indirect.gather [hbm4b:s12+s16], $0x1, s18, s16, $0xb8;
	[tilespmem:$0xA00] =	vst v63  }
0x37: {  	_ =	swait.ge [sflag:s11], $0x80  }
0x38: {  	[sflag:s11] =	ssyncset.done $0x0  }
0x39: {  	[sflag:s11] =	ssyncadd.s32 $0xFFFFFF80  }
0x3a: {  	_ =	swait.ge [sflag:s11], $0x80  }
0x3b: {  	[sflag:s11] =	ssyncset.done $0x0  }
0x3c: {  	[sflag:s11] =	ssyncadd.s32 $0xFFFFFF80  }
0x3d: {  	_ =	swait.ge [sflag:s11], $0x80  }
0x3e: {  	[sflag:s11] =	ssyncset.done $0x0  }
0x3f: {  	[sflag:s11] =	ssyncadd.s32 $0xFFFFFF80  }
0x40: {  	_ =	swait.ge [sflag:s11], $0x80  }
0x41: {  	[sflag:s11] =	ssyncset.done $0x0  }
0x42: {  	[sflag:s11] =	ssyncadd.s32 $0xFFFFFF80  }
0x43: {  	_ =	swait.ge [sflag:s11], $0x80  }
0x44: {  	[sflag:s11] =	ssyncset.done $0x0  }
0x45: {  	[sflag:s11] =	ssyncadd.s32 $0xFFFFFF80  }
0x46: {  	_ =	swait.ge [sflag:s11], $0x80  }
0x47: {  	[sflag:s11] =	ssyncset.done $0x0  }
0x48: {  	[sflag:s11] =	ssyncadd.s32 $0xFFFFFF80  }
0x49: {  	_ =	swait.ge [sflag:s11], $0x80  }
0x4a: {  	[sflag:s11] =	ssyncset.done $0x0  }
0x4b: {  	[sflag:s11] =	ssyncadd.s32 $0xFFFFFF80  }
0x4c: {  	_ =	swait.ge [sflag:s11], $0x80  }
0x4d: {  	[sflag:s11] =	ssyncset.done $0x0  }
0x4e: {  	[sflag:s11] =	ssyncadd.s32 $0xFFFFFF80  }
0x4f: {  	_ =	swait.ge [sflag:s11], $0x80  }
0x50: {  	[sflag:s11] =	ssyncset.done $0x0  }
0x51: {  	[sflag:s11] =	ssyncadd.s32 $0xFFFFFF80  }
0x52: {  	_ =	swait.ge [sflag:s11], $0x80  }
0x53: {  	[sflag:s11] =	ssyncset.done $0x0  }
0x54: {  	[sflag:s11] =	ssyncadd.s32 $0xFFFFFF80  }
0x55: {  	_ =	swait.ge [sflag:s11], $0x80  }
0x56: {  	[sflag:s11] =	ssyncset.done $0x0  }
0x57: {  	[sflag:s11] =	ssyncadd.s32 $0xFFFFFF80  }
0x58: {  	_ =	swait.ge [sflag:s11], $0x80  }
0x59: {  	[sflag:s11] =	ssyncset.done $0x0  }
0x5a: {  	[sflag:s11] =	ssyncadd.s32 $0xFFFFFF80  }
0x5b: {  	_ =	swait.ge [sflag:s11], $0x80  }
0x5c: {  	[sflag:s11] =	ssyncset.done $0x0  }
0x5d: {  	[sflag:s11] =	ssyncadd.s32 $0xFFFFFF80  }
0x5e: {  	_ =	swait.ge [sflag:s11], $0x80  }
0x5f: {  	[sflag:s11] =	ssyncset.done $0x0  }
0x60: {  	[sflag:s11] =	ssyncadd.s32 $0xFFFFFF80  }
0x61: {  	_ =	swait.ge [sflag:s11], $0x80  }
0x62: {  	[sflag:s11] =	ssyncset.done $0x0  }
0x63: {  	[sflag:s11] =	ssyncadd.s32 $0xFFFFFF80  }
0x64: {  	_ =	swait.ge [sflag:s11], $0x80  }
0x65: {  	[sflag:s11] =	ssyncset.done $0x0  }
0x66: {  	s1 =	rddreg [dreg:$0x4];
	[sflag:s11] =	ssyncadd.s32 $0xFFFFFF80  }
0x67: {  	[hbm4b:s1+s2] =	stream.linear.scatter [tilespmem:s7], [sflag:$0x2], $0x200, $0x38;
	[tilespmem:$0xA00] =	vst v63  }
0x68: {  	_ =	swait.ge [sflag:s3], $0x200  }
0x69: {  	[sflag:s3] =	ssyncset.done $0x0  }
0x6a: {  	[sflag:s3] =	ssyncadd.s32 $0xFFFFFE00  }
0x6b: {  	[hbm4b:s6+s2] =	stream.linear.scatter [tilespmem:s8], [sflag:$0x2], $0x200, $0x38;
	[tilespmem:$0xA00] =	vst v63  }
0x6c: {  	_ =	swait.ge [sflag:s3], $0x200  }
0x6d: {  	[sflag:s3] =	ssyncset.done $0x0  }
0x6e: {  	[sflag:s3] =	ssyncadd.s32 $0xFFFFFE00  }
0x6f: {  	[hbm4b:s5+s2] =	stream.linear.scatter [tilespmem:s9], [sflag:$0x2], $0x200, $0x38;
	[tilespmem:$0xA00] =	vst v63  }
0x70: {  	p1 =	sne.s32 s0, $0x1;
	_ =	swait.ge [sflag:s3], $0x200  }
.Ltmp1:
0x71: {  	[sflag:s3] =	ssyncset.done $0x0;
	(pc) =	sbr.rel @!p1 .LBB2_3-.Ltmp1, $4  }
0x72: {  	[sflag:s3] =	ssyncadd.s32 $0xFFFFFE00  }
0x73: {  	[hbm4b:s4+s2] =	stream.linear.scatter [tilespmem:s10], [sflag:$0x2], $0x200, $0x38;
	[tilespmem:$0xA00] =	vst v63  }
0x74: {  	s0 =	sadd.s32 $0xFFFFFFFF, s0;
	_ =	swait.ge [sflag:s3], $0x200  }
0x75: {  	p0 =	por $0x1, $0x1;
	s1 =	rddreg [dreg:$0x3];
	[sflag:s3] =	ssyncset.done $0x0  }
.LBB2_2:
0x76: {  	[sflag:s3] =	ssyncadd.s32 $0xFFFFFE00  }
0x77: {  	[tilespmem:s2], [sflag:$0x2] =	stream.linear.gather [hbm4b:s1+s2], $0x200, $0x38;
	[tilespmem:$0xA00] =	vst v63  }
0x78: {  	_ =	swait.ge [sflag:s3], $0x200  }
0x79: {  	[sflag:s3] =	ssyncset.done $0x0  }
0x7a: {  	[sflag:s3] =	ssyncadd.s32 $0xFFFFFE00  }
0x7b: {  	[tilespmem:s7], [sflag:$0x1] =	stream.indirect.gather [hbm4b:s13+s16], $0x1, s2, s16, $0xb8;
	[tilespmem:$0xA00] =	vst v63  }
0x7c: {  	_ = 	snop  }
0x7d: {  	[tilespmem:s19], [sflag:$0x1] =	stream.indirect.gather [hbm4b:s13+s16], $0x1, s16, s16, $0xb8;
	[tilespmem:$0xA00] =	vst v63  }
0x7e: {  	_ = 	snop  }
0x7f: {  	[tilespmem:s20], [sflag:$0x1] =	stream.indirect.gather [hbm4b:s13+s16], $0x1, s17, s16, $0xb8;
	[tilespmem:$0xA00] =	vst v63  }
0x80: {  	_ = 	snop  }
0x81: {  	[tilespmem:s21], [sflag:$0x1] =	stream.indirect.gather [hbm4b:s13+s16], $0x1, s18, s16, $0xb8;
	[tilespmem:$0xA00] =	vst v63  }
0x82: {  	_ = 	snop  }
0x83: {  	[tilespmem:s8], [sflag:$0x1] =	stream.indirect.gather [hbm4b:s15+s16], $0x1, s2, s16, $0xb8;
	[tilespmem:$0xA00] =	vst v63  }
0x84: {  	_ = 	snop  }
0x85: {  	[tilespmem:s22], [sflag:$0x1] =	stream.indirect.gather [hbm4b:s15+s16], $0x1, s16, s16, $0xb8;
	[tilespmem:$0xA00] =	vst v63  }
0x86: {  	_ = 	snop  }
0x87: {  	[tilespmem:s23], [sflag:$0x1] =	stream.indirect.gather [hbm4b:s15+s16], $0x1, s17, s16, $0xb8;
	[tilespmem:$0xA00] =	vst v63  }
0x88: {  	_ = 	snop  }
0x89: {  	[tilespmem:s24], [sflag:$0x1] =	stream.indirect.gather [hbm4b:s15+s16], $0x1, s18, s16, $0xb8;
	[tilespmem:$0xA00] =	vst v63  }
0x8a: {  	_ = 	snop  }
0x8b: {  	[tilespmem:s9], [sflag:$0x1] =	stream.indirect.gather [hbm4b:s14+s16], $0x1, s2, s16, $0xb8;
	[tilespmem:$0xA00] =	vst v63  }
0x8c: {  	_ = 	snop  }
0x8d: {  	[tilespmem:s25], [sflag:$0x1] =	stream.indirect.gather [hbm4b:s14+s16], $0x1, s16, s16, $0xb8;
	[tilespmem:$0xA00] =	vst v63  }
0x8e: {  	_ = 	snop  }
0x8f: {  	[tilespmem:s26], [sflag:$0x1] =	stream.indirect.gather [hbm4b:s14+s16], $0x1, s17, s16, $0xb8;
	[tilespmem:$0xA00] =	vst v63  }
0x90: {  	_ = 	snop  }
0x91: {  	[tilespmem:s28], [sflag:$0x1] =	stream.indirect.gather [hbm4b:s14+s16], $0x1, s18, s16, $0xb8;
	[tilespmem:$0xA00] =	vst v63  }
0x92: {  	_ = 	snop  }
0x93: {  	[tilespmem:s10], [sflag:$0x1] =	stream.indirect.gather [hbm4b:s12+s16], $0x1, s2, s16, $0xb8;
	[tilespmem:$0xA00] =	vst v63  }
0x94: {  	_ = 	snop  }
0x95: {  	[tilespmem:s29], [sflag:$0x1] =	stream.indirect.gather [hbm4b:s12+s16], $0x1, s16, s16, $0xb8;
	[tilespmem:$0xA00] =	vst v63  }
0x96: {  	_ = 	snop  }
0x97: {  	[tilespmem:s30], [sflag:$0x1] =	stream.indirect.gather [hbm4b:s12+s16], $0x1, s17, s16, $0xb8;
	[tilespmem:$0xA00] =	vst v63  }
0x98: {  	_ = 	snop  }
0x99: {  	[tilespmem:s31], [sflag:$0x1] =	stream.indirect.gather [hbm4b:s12+s16], $0x1, s18, s16, $0xb8;
	[tilespmem:$0xA00] =	vst v63  }
0x9a: {  	_ =	swait.ge [sflag:s11], $0x80  }
0x9b: {  	[sflag:s11] =	ssyncset.done $0x0  }
0x9c: {  	[sflag:s11] =	ssyncadd.s32 $0xFFFFFF80  }
0x9d: {  	_ =	swait.ge [sflag:s11], $0x80  }
0x9e: {  	[sflag:s11] =	ssyncset.done $0x0  }
0x9f: {  	[sflag:s11] =	ssyncadd.s32 $0xFFFFFF80  }
0xa0: {  	_ =	swait.ge [sflag:s11], $0x80  }
0xa1: {  	[sflag:s11] =	ssyncset.done $0x0  }
0xa2: {  	[sflag:s11] =	ssyncadd.s32 $0xFFFFFF80  }
0xa3: {  	_ =	swait.ge [sflag:s11], $0x80  }
0xa4: {  	[sflag:s11] =	ssyncset.done $0x0  }
0xa5: {  	[sflag:s11] =	ssyncadd.s32 $0xFFFFFF80  }
0xa6: {  	_ =	swait.ge [sflag:s11], $0x80  }
0xa7: {  	[sflag:s11] =	ssyncset.done $0x0  }
0xa8: {  	[sflag:s11] =	ssyncadd.s32 $0xFFFFFF80  }
0xa9: {  	_ =	swait.ge [sflag:s11], $0x80  }
0xaa: {  	[sflag:s11] =	ssyncset.done $0x0  }
0xab: {  	[sflag:s11] =	ssyncadd.s32 $0xFFFFFF80  }
0xac: {  	_ =	swait.ge [sflag:s11], $0x80  }
0xad: {  	[sflag:s11] =	ssyncset.done $0x0  }
0xae: {  	[sflag:s11] =	ssyncadd.s32 $0xFFFFFF80  }
0xaf: {  	_ =	swait.ge [sflag:s11], $0x80  }
0xb0: {  	[sflag:s11] =	ssyncset.done $0x0  }
0xb1: {  	[sflag:s11] =	ssyncadd.s32 $0xFFFFFF80  }
0xb2: {  	_ =	swait.ge [sflag:s11], $0x80  }
0xb3: {  	[sflag:s11] =	ssyncset.done $0x0  }
0xb4: {  	[sflag:s11] =	ssyncadd.s32 $0xFFFFFF80  }
0xb5: {  	_ =	swait.ge [sflag:s11], $0x80  }
0xb6: {  	[sflag:s11] =	ssyncset.done $0x0  }
0xb7: {  	[sflag:s11] =	ssyncadd.s32 $0xFFFFFF80  }
0xb8: {  	_ =	swait.ge [sflag:s11], $0x80  }
0xb9: {  	[sflag:s11] =	ssyncset.done $0x0  }
0xba: {  	[sflag:s11] =	ssyncadd.s32 $0xFFFFFF80  }
0xbb: {  	_ =	swait.ge [sflag:s11], $0x80  }
0xbc: {  	[sflag:s11] =	ssyncset.done $0x0  }
0xbd: {  	[sflag:s11] =	ssyncadd.s32 $0xFFFFFF80  }
0xbe: {  	_ =	swait.ge [sflag:s11], $0x80  }
0xbf: {  	[sflag:s11] =	ssyncset.done $0x0  }
0xc0: {  	[sflag:s11] =	ssyncadd.s32 $0xFFFFFF80  }
0xc1: {  	_ =	swait.ge [sflag:s11], $0x80  }
0xc2: {  	[sflag:s11] =	ssyncset.done $0x0  }
0xc3: {  	[sflag:s11] =	ssyncadd.s32 $0xFFFFFF80  }
0xc4: {  	_ =	swait.ge [sflag:s11], $0x80  }
0xc5: {  	[sflag:s11] =	ssyncset.done $0x0  }
0xc6: {  	[sflag:s11] =	ssyncadd.s32 $0xFFFFFF80  }
0xc7: {  	_ =	swait.ge [sflag:s11], $0x80  }
0xc8: {  	[sflag:s11] =	ssyncset.done $0x0  }
0xc9: {  	s1 =	rddreg [dreg:$0x4];
	[sflag:s11] =	ssyncadd.s32 $0xFFFFFF80  }
0xca: {  	[hbm4b:s1+s2] =	stream.linear.scatter [tilespmem:s7], [sflag:$0x2], $0x200, $0x38;
	[tilespmem:$0xA00] =	vst v63  }
0xcb: {  	_ =	swait.ge [sflag:s3], $0x200  }
0xcc: {  	[sflag:s3] =	ssyncset.done $0x0  }
0xcd: {  	[sflag:s3] =	ssyncadd.s32 $0xFFFFFE00  }
0xce: {  	[hbm4b:s6+s2] =	stream.linear.scatter [tilespmem:s8], [sflag:$0x2], $0x200, $0x38;
	[tilespmem:$0xA00] =	vst v63  }
0xcf: {  	_ =	swait.ge [sflag:s3], $0x200  }
0xd0: {  	[sflag:s3] =	ssyncset.done $0x0  }
0xd1: {  	[sflag:s3] =	ssyncadd.s32 $0xFFFFFE00  }
0xd2: {  	[hbm4b:s5+s2] =	stream.linear.scatter [tilespmem:s9], [sflag:$0x2], $0x200, $0x38;
	[tilespmem:$0xA00] =	vst v63  }
0xd3: {  	p1 =	sne.s32 s0, $0x1;
	_ =	swait.ge [sflag:s3], $0x200  }
.Ltmp2:
0xd4: {  	[sflag:s3] =	ssyncset.done $0x0;
	(pc) =	sbr.rel @p1 .LBB2_2-.Ltmp2, $4  }
0xd5: {  	[sflag:s3] =	ssyncadd.s32 $0xFFFFFE00  }
0xd6: {  	[hbm4b:s4+s2] =	stream.linear.scatter [tilespmem:s10], [sflag:$0x2], $0x200, $0x38;
	[tilespmem:$0xA00] =	vst v63  }
0xd7: {  	_ =	swait.ge [sflag:s3], $0x200  }
0xd8: {  	s0 =	sadd.s32 $0xFFFFFFFF, s0;
	s1 =	rddreg [dreg:$0x3];
	[sflag:s3] =	ssyncset.done $0x0  }
.LBB2_3:
0xd9: {  	[sflag:s3] =	ssyncadd.s32 @p0 $0xFFFFFE00  }
0xda: {  	[tilespmem:s2], [sflag:$0x2] =	stream.linear.gather [hbm4b:s1+s2], $0x200, $0x38;
	[tilespmem:$0xA00] =	vst v63  }
0xdb: {  	_ =	swait.ge [sflag:s3], $0x200  }
0xdc: {  	[sflag:s3] =	ssyncset.done $0x0  }
0xdd: {  	[sflag:s3] =	ssyncadd.s32 $0xFFFFFE00  }
0xde: {  	[tilespmem:s7], [sflag:$0x1] =	stream.indirect.gather [hbm4b:s13+s16], $0x1, s2, s16, $0xb8;
	[tilespmem:$0xA00] =	vst v63  }
0xdf: {  	_ = 	snop  }
0xe0: {  	[tilespmem:s19], [sflag:$0x1] =	stream.indirect.gather [hbm4b:s13+s16], $0x1, s16, s16, $0xb8;
	[tilespmem:$0xA00] =	vst v63  }
0xe1: {  	_ = 	snop  }
0xe2: {  	[tilespmem:s20], [sflag:$0x1] =	stream.indirect.gather [hbm4b:s13+s16], $0x1, s17, s16, $0xb8;
	[tilespmem:$0xA00] =	vst v63  }
0xe3: {  	_ = 	snop  }
0xe4: {  	[tilespmem:s21], [sflag:$0x1] =	stream.indirect.gather [hbm4b:s13+s16], $0x1, s18, s16, $0xb8;
	[tilespmem:$0xA00] =	vst v63  }
0xe5: {  	_ = 	snop  }
0xe6: {  	[tilespmem:s8], [sflag:$0x1] =	stream.indirect.gather [hbm4b:s15+s16], $0x1, s2, s16, $0xb8;
	[tilespmem:$0xA00] =	vst v63  }
0xe7: {  	_ = 	snop  }
0xe8: {  	[tilespmem:s22], [sflag:$0x1] =	stream.indirect.gather [hbm4b:s15+s16], $0x1, s16, s16, $0xb8;
	[tilespmem:$0xA00] =	vst v63  }
0xe9: {  	_ = 	snop  }
0xea: {  	[tilespmem:s23], [sflag:$0x1] =	stream.indirect.gather [hbm4b:s15+s16], $0x1, s17, s16, $0xb8;
	[tilespmem:$0xA00] =	vst v63  }
0xeb: {  	_ = 	snop  }
0xec: {  	[tilespmem:s24], [sflag:$0x1] =	stream.indirect.gather [hbm4b:s15+s16], $0x1, s18, s16, $0xb8;
	[tilespmem:$0xA00] =	vst v63  }
0xed: {  	_ = 	snop  }
0xee: {  	[tilespmem:s9], [sflag:$0x1] =	stream.indirect.gather [hbm4b:s14+s16], $0x1, s2, s16, $0xb8;
	[tilespmem:$0xA00] =	vst v63  }
0xef: {  	_ = 	snop  }
0xf0: {  	[tilespmem:s25], [sflag:$0x1] =	stream.indirect.gather [hbm4b:s14+s16], $0x1, s16, s16, $0xb8;
	[tilespmem:$0xA00] =	vst v63  }
0xf1: {  	_ = 	snop  }
0xf2: {  	[tilespmem:s26], [sflag:$0x1] =	stream.indirect.gather [hbm4b:s14+s16], $0x1, s17, s16, $0xb8;
	[tilespmem:$0xA00] =	vst v63  }
0xf3: {  	_ = 	snop  }
0xf4: {  	[tilespmem:s28], [sflag:$0x1] =	stream.indirect.gather [hbm4b:s14+s16], $0x1, s18, s16, $0xb8;
	[tilespmem:$0xA00] =	vst v63  }
0xf5: {  	_ = 	snop  }
0xf6: {  	[tilespmem:s10], [sflag:$0x1] =	stream.indirect.gather [hbm4b:s12+s16], $0x1, s2, s16, $0xb8;
	[tilespmem:$0xA00] =	vst v63  }
0xf7: {  	_ = 	snop  }
0xf8: {  	[tilespmem:s29], [sflag:$0x1] =	stream.indirect.gather [hbm4b:s12+s16], $0x1, s16, s16, $0xb8;
	[tilespmem:$0xA00] =	vst v63  }
0xf9: {  	_ = 	snop  }
0xfa: {  	[tilespmem:s30], [sflag:$0x1] =	stream.indirect.gather [hbm4b:s12+s16], $0x1, s17, s16, $0xb8;
	[tilespmem:$0xA00] =	vst v63  }
0xfb: {  	_ = 	snop  }
0xfc: {  	[tilespmem:s31], [sflag:$0x1] =	stream.indirect.gather [hbm4b:s12+s16], $0x1, s18, s16, $0xb8;
	[tilespmem:$0xA00] =	vst v63  }
0xfd: {  	_ =	swait.ge [sflag:s11], $0x80  }
0xfe: {  	[sflag:s11] =	ssyncset.done $0x0  }
0xff: {  	[sflag:s11] =	ssyncadd.s32 $0xFFFFFF80  }
0x100: {  	_ =	swait.ge [sflag:s11], $0x80  }
0x101: {  	[sflag:s11] =	ssyncset.done $0x0  }
0x102: {  	[sflag:s11] =	ssyncadd.s32 $0xFFFFFF80  }
0x103: {  	_ =	swait.ge [sflag:s11], $0x80  }
0x104: {  	[sflag:s11] =	ssyncset.done $0x0  }
0x105: {  	[sflag:s11] =	ssyncadd.s32 $0xFFFFFF80  }
0x106: {  	_ =	swait.ge [sflag:s11], $0x80  }
0x107: {  	[sflag:s11] =	ssyncset.done $0x0  }
0x108: {  	[sflag:s11] =	ssyncadd.s32 $0xFFFFFF80  }
0x109: {  	_ =	swait.ge [sflag:s11], $0x80  }
0x10a: {  	[sflag:s11] =	ssyncset.done $0x0  }
0x10b: {  	[sflag:s11] =	ssyncadd.s32 $0xFFFFFF80  }
0x10c: {  	_ =	swait.ge [sflag:s11], $0x80  }
0x10d: {  	[sflag:s11] =	ssyncset.done $0x0  }
0x10e: {  	[sflag:s11] =	ssyncadd.s32 $0xFFFFFF80  }
0x10f: {  	_ =	swait.ge [sflag:s11], $0x80  }
0x110: {  	[sflag:s11] =	ssyncset.done $0x0  }
0x111: {  	[sflag:s11] =	ssyncadd.s32 $0xFFFFFF80  }
0x112: {  	_ =	swait.ge [sflag:s11], $0x80  }
0x113: {  	[sflag:s11] =	ssyncset.done $0x0  }
0x114: {  	[sflag:s11] =	ssyncadd.s32 $0xFFFFFF80  }
0x115: {  	_ =	swait.ge [sflag:s11], $0x80  }
0x116: {  	[sflag:s11] =	ssyncset.done $0x0  }
0x117: {  	[sflag:s11] =	ssyncadd.s32 $0xFFFFFF80  }
0x118: {  	_ =	swait.ge [sflag:s11], $0x80  }
0x119: {  	[sflag:s11] =	ssyncset.done $0x0  }
0x11a: {  	[sflag:s11] =	ssyncadd.s32 $0xFFFFFF80  }
0x11b: {  	_ =	swait.ge [sflag:s11], $0x80  }
0x11c: {  	[sflag:s11] =	ssyncset.done $0x0  }
0x11d: {  	[sflag:s11] =	ssyncadd.s32 $0xFFFFFF80  }
0x11e: {  	_ =	swait.ge [sflag:s11], $0x80  }
0x11f: {  	[sflag:s11] =	ssyncset.done $0x0  }
0x120: {  	[sflag:s11] =	ssyncadd.s32 $0xFFFFFF80  }
0x121: {  	_ =	swait.ge [sflag:s11], $0x80  }
0x122: {  	[sflag:s11] =	ssyncset.done $0x0  }
0x123: {  	[sflag:s11] =	ssyncadd.s32 $0xFFFFFF80  }
0x124: {  	_ =	swait.ge [sflag:s11], $0x80  }
0x125: {  	[sflag:s11] =	ssyncset.done $0x0  }
0x126: {  	[sflag:s11] =	ssyncadd.s32 $0xFFFFFF80  }
0x127: {  	_ =	swait.ge [sflag:s11], $0x80  }
0x128: {  	[sflag:s11] =	ssyncset.done $0x0  }
0x129: {  	[sflag:s11] =	ssyncadd.s32 $0xFFFFFF80  }
0x12a: {  	_ =	swait.ge [sflag:s11], $0x80  }
0x12b: {  	[sflag:s11] =	ssyncset.done $0x0  }
0x12c: {  	s0 =	rddreg [dreg:$0x4];
	[sflag:s11] =	ssyncadd.s32 $0xFFFFFF80  }
0x12d: {  	[hbm4b:s0+s2] =	stream.linear.scatter [tilespmem:s7], [sflag:$0x2], $0x200, $0x38;
	[tilespmem:$0xA00] =	vst v63  }
0x12e: {  	_ =	swait.ge [sflag:s3], $0x200  }
0x12f: {  	[sflag:s3] =	ssyncset.done $0x0  }
0x130: {  	[sflag:s3] =	ssyncadd.s32 $0xFFFFFE00  }
0x131: {  	[hbm4b:s6+s2] =	stream.linear.scatter [tilespmem:s8], [sflag:$0x2], $0x200, $0x38;
	[tilespmem:$0xA00] =	vst v63  }
0x132: {  	_ =	swait.ge [sflag:s3], $0x200  }
0x133: {  	[sflag:s3] =	ssyncset.done $0x0  }
0x134: {  	[sflag:s3] =	ssyncadd.s32 $0xFFFFFE00  }
0x135: {  	[hbm4b:s5+s2] =	stream.linear.scatter [tilespmem:s9], [sflag:$0x2], $0x200, $0x38;
	[tilespmem:$0xA00] =	vst v63  }
0x136: {  	_ =	swait.ge [sflag:s3], $0x200  }
0x137: {  	[sflag:s3] =	ssyncset.done $0x0  }
0x138: {  	[sflag:s3] =	ssyncadd.s32 $0xFFFFFE00  }
0x139: {  	[hbm4b:s4+s2] =	stream.linear.scatter [tilespmem:s10], [sflag:$0x2], $0x200, $0x38;
	[tilespmem:$0xA00] =	vst v63  }
0x13a: {  	_ =	swait.ge [sflag:s3], $0x200  }
0x13b: {  	[sflag:s3] =	ssyncset.done $0x0  }
0x13c: {  	[sflag:s3] =	ssyncadd.s32 $0xFFFFFE00  }
0x13d: {  	_ =	sfence.sel $0x180000  }
0x13e: {  	[bflag:$0x0] =	sbarrier.arrive $0xFFFF  }
0x13f: {  	_ =	strace $0x90000047  }
0x140: {  	s31 =	stileid.u32;
	[bflag:$0x2] =	sbarrier.arrive $0xFFFF  }
0x141: {  	p0 =	sne.s32 s31, $0x0;
	s0 =	rddreg [dreg:$0x2]  }
0x142: {  	s0 =	sadd.s32 @!p0 $0x100000, s0  }
0x143: {  	[sflag:s0] =	ssyncadd.tile.s32 @!p0 $0x1;
	_ =	shalt  }
.Lfunc_end2:
_tile_overlayer_lowered:
.L_overlay_start_2:
0x144: {  	(tag) =	ssettag $0x2  }
0x145: {  	s0 =	rddreg [dreg:$0x0];
	s2 =	stileid.u32  }
0x146: {  	s1 =	rddreg [dreg:$0x1];
	p0 =	sne.s32 s2, $0x0  }
0x147: {  	s3 =	rddreg [dreg:$0x2];
	[bflag:$0x3] =	sbarrier.arrive $0xFFFF;
	s2 =	simm.s32 @!p0 $0x1C02  }
0x148: {  	[timem:s3], [sflag:s2] =	dma.local @!p0 [hbm:s0], s1  }
0x149: {  	s0 =	simm.s32 @!p0 $0x2  }
0x14a: {  	_ =	swait.ge @!p0 [sflag:s0], s1  }
0x14b: {  	s1 =	ssub.s32 @!p0 $0x0, s1;
	[sflag:s0] =	ssyncset.done @!p0 $0x0  }
0x14c: {  	[sflag:s0] =	ssyncadd.s32 @!p0 s1  }
0x14d: {  	[bflag:$0x3] =	sbarrier.arrive $0xFFFF  }
0x14e: {  	_ =	shalt  }

</sc_bundles>
